<compile_context>
chip_gen: v7x
topology: tpu7x:2x2x1
jax: 0.10.2.dev20260603
libtpu: 0.0.44.dev20260713+nightly
codegen_flags: <defaults>
</compile_context>

<pallas_src>
import functools

import jax
import jax.numpy as jnp
from jax import lax
from jax.experimental import pallas as pl
from jax.experimental.pallas import tpu as pltpu
from jax.experimental.pallas import tpu_sc as plsc

_N_NODES = 100000
_N_EDGES = 3200000
_NUM_CELLS = 512
_M = 4096
_HID = 32
_OUT = 64

_NC, _NS, _L = 2, 16, 16
_NW = _NC * _NS
_EPT = _N_EDGES // _NW
_CHUNK = 2000
_NCHUNK = _EPT // _CHUNK
_POS_PAD = 100352
_FLAG_N = 4224
_BINS = 640


def _dup_hist_body(x_hbm, cnts_hbm, dup_out, hist_out,
                   pos_v, x_v, cnts_v, histp_v, histl_v, dup_v):
    wid = lax.axis_index("s") * _NC + lax.axis_index("c")
    lane = jnp.arange(_L, dtype=jnp.int32)
    zero = jnp.zeros((_L,), dtype=jnp.int32)

    pltpu.sync_copy(x_hbm, x_v)

    def scat_body(i, carry):
        idx = x_v[pl.ds(i * _L, _L)]
        plsc.store_scatter(pos_v, [idx], lane + i * _L)
        return carry
    lax.fori_loop(0, _M // _L, scat_body, None, unroll=4)

    def chk_body(i, acc):
        off = wid * (_M // _NW) + i * _L
        idx = x_v[pl.ds(off, _L)]
        got = plsc.load_gather(pos_v, [idx])
        return acc | (got != (lane + off)).astype(jnp.int32)
    dup = lax.fori_loop(0, (_M // _NW) // _L, chk_body, zero, unroll=4)
    dup_v[...] = dup
    pltpu.sync_copy(dup_v, dup_out.at[wid])

    def _fill(ref, n, val):
        def body(i, carry):
            ref[pl.ds(i * _L, _L)] = val
            return carry
        lax.fori_loop(0, n // _L, body, None, unroll=8)

    _fill(histp_v, _L * _BINS, zero)
    pltpu.sync_copy(cnts_hbm.at[pl.ds(wid * (_M // _NW), _M // _NW)], cnts_v)
    one = jnp.ones((_L,), dtype=jnp.int32)

    def hist_body(j, carry):
        c = cnts_v[pl.ds(j * _L, _L)]
        plsc.addupdate_scatter(histp_v, [lane * _BINS + c], one)
        return carry
    lax.fori_loop(0, (_M // _NW) // _L, hist_body, None, unroll=4)

    def fold_body(i, carry):
        acc = histp_v[pl.ds(i * _L, _L)]

        def inner(l, a):
            return a + histp_v[pl.ds(l * _BINS + i * _L, _L)]
        acc = lax.fori_loop(1, _L, inner, acc, unroll=4)
        histl_v[pl.ds(i * _L, _L)] = acc
        return carry
    lax.fori_loop(0, _BINS // _L, fold_body, None)
    pltpu.sync_copy(histl_v, hist_out.at[wid])


_dup_hist_kernel = functools.partial(
    pl.kernel,
    out_type=(
        jax.ShapeDtypeStruct((_NW, _L), jnp.int32),
        jax.ShapeDtypeStruct((_NW, _BINS), jnp.int32),
    ),
    mesh=plsc.VectorSubcoreMesh(
        core_axis_name="c", subcore_axis_name="s",
        num_cores=_NC, num_subcores=_NS),
    compiler_params=pltpu.CompilerParams(needs_layout_passes=False),
    scratch_types=[
        pltpu.VMEM((_POS_PAD,), jnp.int32),
        pltpu.VMEM((_M,), jnp.int32),
        pltpu.VMEM((_M // _NW,), jnp.int32),
        pltpu.VMEM((_L * _BINS,), jnp.int32),
        pltpu.VMEM((_BINS,), jnp.int32),
        pltpu.VMEM((_L,), jnp.int32),
    ],
)(_dup_hist_body)


def _edge_flag_body(edge_hbm, x_hbm, flag_out,
                    pos_v, eb0, eb1, x_v, flag_v, sem0, sem1):
    wid = lax.axis_index("s") * _NC + lax.axis_index("c")
    lane = jnp.arange(_L, dtype=jnp.int32)

    sent = jnp.full((_L,), _M, dtype=jnp.int32)
    zero = jnp.zeros((_L,), dtype=jnp.int32)

    def _fill(ref, n, val):
        def body(i, carry):
            ref[pl.ds(i * _L, _L)] = val
            return carry
        lax.fori_loop(0, n // _L, body, None, unroll=8)

    _fill(pos_v, _POS_PAD, sent)
    _fill(flag_v, _FLAG_N, zero)

    pltpu.sync_copy(x_hbm, x_v)

    def scat_body(i, carry):
        idx = x_v[pl.ds(i * _L, _L)]
        plsc.store_scatter(pos_v, [idx], lane + i * _L)
        return carry
    lax.fori_loop(0, _M // _L, scat_body, None, unroll=4)

    base = wid * _EPT
    one = jnp.ones((_L,), dtype=jnp.int32)

    def proc(ebuf):
        def body(j, carry):
            rows = ebuf[pl.ds(j * _L, _L)]
            src = plsc.load_gather(pos_v, [rows])
            plsc.store_scatter(flag_v, [src], one)
            return carry
        lax.fori_loop(0, _CHUNK // _L, body, None, unroll=5)

    pltpu.async_copy(edge_hbm.at[pl.ds(base, _CHUNK)], eb0, sem0)
    pltpu.async_copy(edge_hbm.at[pl.ds(base + _CHUNK, _CHUNK)], eb1, sem1)

    nhalf = _NCHUNK // 2

    def outer(c, carry):
        s0 = base + (2 * c) * _CHUNK
        pltpu.make_async_copy(edge_hbm.at[pl.ds(s0, _CHUNK)], eb0, sem0).wait()
        proc(eb0)

        @pl.when(c < nhalf - 1)
        def _issue0():
            pltpu.async_copy(
                edge_hbm.at[pl.ds(s0 + 2 * _CHUNK, _CHUNK)], eb0, sem0)

        s1 = s0 + _CHUNK
        pltpu.make_async_copy(edge_hbm.at[pl.ds(s1, _CHUNK)], eb1, sem1).wait()
        proc(eb1)

        @pl.when(c < nhalf - 1)
        def _issue1():
            pltpu.async_copy(
                edge_hbm.at[pl.ds(s1 + 2 * _CHUNK, _CHUNK)], eb1, sem1)
        return carry

    lax.fori_loop(0, nhalf, outer, None)

    pltpu.sync_copy(flag_v.at[pl.ds(0, _M)], flag_out.at[wid])


_edge_flag_kernel = functools.partial(
    pl.kernel,
    out_type=jax.ShapeDtypeStruct((_NW, _M), jnp.int32),
    mesh=plsc.VectorSubcoreMesh(
        core_axis_name="c", subcore_axis_name="s",
        num_cores=_NC, num_subcores=_NS),
    compiler_params=pltpu.CompilerParams(needs_layout_passes=False),
    scratch_types=[
        pltpu.VMEM((_POS_PAD,), jnp.int32),
        pltpu.VMEM((_CHUNK,), jnp.int32),
        pltpu.VMEM((_CHUNK,), jnp.int32),
        pltpu.VMEM((_M,), jnp.int32),
        pltpu.VMEM((_FLAG_N,), jnp.int32),
        pltpu.SemaphoreType.DMA,
        pltpu.SemaphoreType.DMA,
    ],
)(_edge_flag_body)


def _mlp_body(hist_ref, fv_ref, pc_ref, embp_ref, embc_ref,
              w1_ref, b1_ref, w2_ref, b2_ref, wo_ref, bo_ref, out_ref):
    hist = jnp.sum(hist_ref[...].astype(jnp.float32), axis=0, keepdims=True)
    pc = pc_ref[0]
    n_emb = embp_ref.shape[0]
    bins = lax.broadcasted_iota(jnp.int32, (1, n_emb), 1)
    pc_oh = (bins == pc).astype(jnp.float32)
    pc_emb = jnp.dot(pc_oh, embp_ref[...], preferred_element_type=jnp.float32)
    cnt_emb = jnp.dot(hist[:, :n_emb], embc_ref[...],
                      preferred_element_type=jnp.float32)
    fv = fv_ref[...].astype(jnp.float32)

    def dot_t(a, w):
        return lax.dot_general(a, w, (((1,), (1,)), ((), ())),
                               preferred_element_type=jnp.float32)

    h = jnp.maximum(dot_t(fv, w1_ref[...]) + b1_ref[...], 0.0)
    sig_emb = dot_t(h, w2_ref[...]) + b2_ref[...]
    z = jnp.concatenate([pc_emb + cnt_emb, sig_emb], axis=1)
    out_ref[...] = dot_t(z, wo_ref[...]) + bo_ref[...]


_mlp_kernel = pl.pallas_call(
    _mlp_body,
    out_shape=jax.ShapeDtypeStruct((1, _OUT), jnp.float32),
    in_specs=[
        pl.BlockSpec(memory_space=pltpu.VMEM),
        pl.BlockSpec(memory_space=pltpu.VMEM),
        pl.BlockSpec(memory_space=pltpu.SMEM),
        pl.BlockSpec(memory_space=pltpu.VMEM),
        pl.BlockSpec(memory_space=pltpu.VMEM),
        pl.BlockSpec(memory_space=pltpu.VMEM),
        pl.BlockSpec(memory_space=pltpu.VMEM),
        pl.BlockSpec(memory_space=pltpu.VMEM),
        pl.BlockSpec(memory_space=pltpu.VMEM),
        pl.BlockSpec(memory_space=pltpu.VMEM),
        pl.BlockSpec(memory_space=pltpu.VMEM),
    ],
    out_specs=pl.BlockSpec(memory_space=pltpu.VMEM),
)


def _slow_first_vec(edge_index, X, cell_id):
    n = cell_id.shape[0]
    m = X.shape[0]
    pos = (jnp.full((n,), -1, dtype=jnp.int32)
           .at[X].set(jnp.arange(m, dtype=jnp.int32)))
    src = pos[edge_index[0]]
    dst_cell = cell_id[edge_index[1]]
    valid = src >= 0
    flat_idx = jnp.where(valid, src * _NUM_CELLS + dst_cell, 0)
    counts = (jnp.zeros((m * _NUM_CELLS,), dtype=jnp.int32)
              .at[flat_idx].add(valid.astype(jnp.int32)))
    counts = counts.reshape(m, _NUM_CELLS)

    def _lex_less(a, b):
        diff = a != b
        i = jnp.argmax(diff)
        return jnp.any(diff) & (a[i] < b[i])

    def _step(best, r):
        return jnp.where(_lex_less(r, best), r, best), None

    first, _ = jax.lax.scan(_step, counts[0], counts[1:])
    return first


def kernel(edge_index, X, cell_id, cnts_W, parent_colour,
           emb_parent, emb_cnt, W1, b1, W2, b2, Wo, bo):
    X = X.astype(jnp.int32)
    cnts_W = cnts_W.astype(jnp.int32)

    dup, hists = _dup_hist_kernel(X, cnts_W)
    dup_any = jnp.any(dup != 0)

    def _no_dup_path():
        ei = edge_index.astype(jnp.int32)
        flags = _edge_flag_kernel(ei.reshape(-1), X)
        zero_exists = jnp.any(jnp.max(flags, axis=0) == 0)
        return lax.cond(
            zero_exists,
            lambda: jnp.zeros((_NUM_CELLS,), dtype=jnp.int32),
            lambda: _slow_first_vec(ei, X, cell_id.astype(jnp.int32)),
        )

    first_vec = lax.cond(
        dup_any,
        lambda: jnp.zeros((_NUM_CELLS,), dtype=jnp.int32),
        _no_dup_path,
    )

    pc = jnp.asarray(parent_colour, dtype=jnp.int32).reshape(1)

    out = _mlp_kernel(
        hists, first_vec.reshape(1, _NUM_CELLS), pc,
        emb_parent, emb_cnt,
        W1, b1.reshape(1, _HID), W2, b2.reshape(1, _HID),
        Wo, bo.reshape(1, _OUT))
    return out.reshape(_OUT)

# --- scband reference (transcript-rebuilt; emitter-appended) ---
"""Pipeline reference for scband-trace-collector-89910845374681 (READ-ONLY COPY).

The authoritative reference and input builder live on the scoring server;
editing this copy changes nothing except your own understanding.
"""

import jax, jax.numpy as jnp
import numpy as np

N_NODES = 100000
N_EDGES = 3200000
NUM_CELLS = 512   # len(cells) == max_cells in this setup
MAX_CELLS = 512   # TraceCollector.n (sig_mlp input width)
X_SIZE = 4096
HID = 32
OUT_DIM = 64
MAX_PARENT = 512
MAX_CNT = 512


def setup_inputs(seed: int = 0) -> dict:
    key = jax.random.key(seed)
    ks = jax.random.split(key, 16)
    edge_index = jax.random.randint(ks[0], (2, N_EDGES), 0, N_NODES)
    X = jax.random.randint(ks[1], (X_SIZE,), 0, N_NODES)
    cell_id = jax.random.randint(ks[2], (N_NODES,), 0, NUM_CELLS)
    cnts_W = jax.random.randint(ks[3], (X_SIZE,), 0, MAX_CNT + 1)
    parent_colour = 100
    # learned parameters (per init_kwargs)
    emb_parent = jax.random.normal(ks[4], (MAX_PARENT + 1, HID), dtype=jnp.float32) * 0.02
    emb_cnt = jax.random.normal(ks[5], (MAX_CNT + 1, HID), dtype=jnp.float32) * 0.02
    W1 = jax.random.normal(ks[6], (HID, MAX_CELLS), dtype=jnp.float32) * (1.0 / np.sqrt(MAX_CELLS))
    b1 = jnp.zeros((HID,), dtype=jnp.float32)
    W2 = jax.random.normal(ks[7], (HID, HID), dtype=jnp.float32) * (1.0 / np.sqrt(HID))
    b2 = jnp.zeros((HID,), dtype=jnp.float32)
    Wo = jax.random.normal(ks[8], (OUT_DIM, 2 * HID), dtype=jnp.float32) * (1.0 / np.sqrt(2 * HID))
    bo = jnp.zeros((OUT_DIM,), dtype=jnp.float32)
    return {"edge_index": edge_index, "X": X, "cell_id": cell_id, "cnts_W": cnts_W,
            "parent_colour": parent_colour, "emb_parent": emb_parent, "emb_cnt": emb_cnt,
            "W1": W1, "b1": b1, "W2": W2, "b2": b2, "Wo": Wo, "bo": bo}


def _cell_edge_signature_first(edge_index, X, cell_id):
    # Faithful port of WLStep.cell_edge_signature, returning only the
    # lexicographically-smallest degree-vector (TraceCollector.cell_embed
    # breaks after the first element of the sorted signature).
    n = cell_id.shape[0]
    m = X.shape[0]
    X_sorted = jnp.sort(X)
    pos = jnp.full((n,), -1, dtype=jnp.int32).at[X_sorted].set(jnp.arange(m, dtype=jnp.int32))
    row, col = edge_index[0], edge_index[1]
    src = pos[row]                 # gather
    dst_cell = cell_id[col]        # gather
    valid = (src >= 0) & (dst_cell >= 0)
    flat_idx = jnp.where(valid, src * NUM_CELLS + dst_cell, 0)
    counts = jnp.zeros((m * NUM_CELLS,), dtype=jnp.int32).at[flat_idx].add(valid.astype(jnp.int32))
    counts = counts.reshape(m, NUM_CELLS)
    # lexicographically smallest row; column 0 is the most-significant key
    def _lex_less(a, b):
        diff = a != b
        i = jnp.argmax(diff)
        return jnp.any(diff) & (a[i] < b[i])
    def _step(best, r):
        best = jnp.where(_lex_less(r, best), r, best)
        return best, None
    first, _ = jax.lax.scan(_step, counts[0], counts[1:])
    return first


def reference(edge_index, X, cell_id, cnts_W, parent_colour,
              emb_parent, emb_cnt, W1, b1, W2, b2, Wo, bo):
    first_vec = _cell_edge_signature_first(edge_index, X, cell_id)
    sig_vec = jnp.zeros((MAX_CELLS,), dtype=jnp.int32).at[:NUM_CELLS].set(first_vec)
    pc_emb = emb_parent[parent_colour]            # embedding lookup
    cnt_emb = jnp.take(emb_cnt, cnts_W, axis=0).sum(0)  # embedding lookup + reduce
    h = jnp.maximum(sig_vec.astype(jnp.float32) @ W1.T + b1, 0.0)
    sig_emb = h @ W2.T + b2
    z = jnp.concatenate([pc_emb + cnt_emb, sig_emb], axis=-1)
    return z @ Wo.T + bo

if __name__ == "__main__":
    import jax
    _d = setup_inputs()
    print(jax.jit(kernel)(*tuple(_d.values())))

</pallas_src>

<mosaic_0001>
#map = affine_map<(d0, d1) -> (0)>
#map1 = affine_map<(d0, d1) -> (0, 0)>
module attributes {stable_mosaic.version = 14 : i64} {
  func.func @_edge_flag_body(%arg0: i32, %arg1: i32, %arg2: memref<6400000xi32, #tpu.memory_space<hbm>>, %arg3: memref<4096xi32, #tpu.memory_space<hbm>>, %arg4: memref<32x4096xi32, #tpu.memory_space<hbm>>, %arg5: memref<100352xi32, #tpu.memory_space<vmem>>, %arg6: memref<2000xi32, #tpu.memory_space<vmem>>, %arg7: memref<2000xi32, #tpu.memory_space<vmem>>, %arg8: memref<4096xi32, #tpu.memory_space<vmem>>, %arg9: memref<4224xi32, #tpu.memory_space<vmem>>, %arg10: memref<!tpu.dma_semaphore, #tpu.memory_space<semaphore_mem>>, %arg11: memref<!tpu.dma_semaphore, #tpu.memory_space<semaphore_mem>>) attributes {dimension_semantics = [#tpu.dimension_semantics<core_parallel>, #tpu.dimension_semantics<subcore_parallel>], iteration_bounds = array<i64: 2, 16>, scalar_prefetch = 0 : i64, scratch_operands = 7 : i64, tpu.core_type = #tpu.core_type<sc_vector_subcore>, window_params = [{transform_indices = #map}, {transform_indices = #map}, {transform_indices = #map1}]} {
    %mul3A = arith.constant 2 : i32
    %mul3A_0 = arith.muli %arg1, %mul3A : i32
    %add3A = arith.addi %mul3A_0, %arg0 : i32
    %iota3A = tpu.iota {dimensions = array<i32: 0>} : vector<16xi32>
    %broadcast_in_dim3A = arith.constant 4096 : i32
    %broadcast_in_dim3A_1 = vector.broadcast %broadcast_in_dim3A : i32 to vector<16xi32>
    %broadcast_in_dim3A_2 = arith.constant 0 : i32
    %broadcast_in_dim3A_3 = vector.broadcast %broadcast_in_dim3A_2 : i32 to vector<16xi32>
    %scan3A = arith.constant 0 : i32
    %scan3A_4 = arith.constant 6272 : i32
    %scan3A_5 = arith.addi %scan3A, %scan3A_4 : i32
    %scan3A_6 = arith.constant 8 : i32
    scf.for %scan3A_32 = %scan3A to %scan3A_5 step %scan3A_6  : i32 {
      %mul3A_33 = arith.constant 16 : i32
      %mul3A_34 = arith.muli %scan3A_32, %mul3A_33 : i32
      %swap3A = arith.index_cast %mul3A_34 : i32 to index
      %swap3A_35 = tpu.vector_load %arg5[%swap3A] {strides = array<i32>} : memref<100352xi32, #tpu.memory_space<vmem>>, vector<16xi32>,
      tpu.vector_store %arg5[%swap3A], %broadcast_in_dim3A_1 {strides = array<i32>} : memref<100352xi32, #tpu.memory_space<vmem>>, vector<16xi32>,
      %scan3A_36 = arith.constant 1 : i32
      %scan3A_37 = arith.addi %scan3A_32, %scan3A_36 : i32
      %mul3A_38 = arith.constant 16 : i32
      %mul3A_39 = arith.muli %scan3A_37, %mul3A_38 : i32
      %swap3A_40 = arith.index_cast %mul3A_39 : i32 to index
      %swap3A_41 = tpu.vector_load %arg5[%swap3A_40] {strides = array<i32>} : memref<100352xi32, #tpu.memory_space<vmem>>, vector<16xi32>,
      tpu.vector_store %arg5[%swap3A_40], %broadcast_in_dim3A_1 {strides = array<i32>} : memref<100352xi32, #tpu.memory_space<vmem>>, vector<16xi32>,
      %scan3A_42 = arith.constant 2 : i32
      %scan3A_43 = arith.addi %scan3A_32, %scan3A_42 : i32
      %mul3A_44 = arith.constant 16 : i32
      %mul3A_45 = arith.muli %scan3A_43, %mul3A_44 : i32
      %swap3A_46 = arith.index_cast %mul3A_45 : i32 to index
      %swap3A_47 = tpu.vector_load %arg5[%swap3A_46] {strides = array<i32>} : memref<100352xi32, #tpu.memory_space<vmem>>, vector<16xi32>,
      tpu.vector_store %arg5[%swap3A_46], %broadcast_in_dim3A_1 {strides = array<i32>} : memref<100352xi32, #tpu.memory_space<vmem>>, vector<16xi32>,
      %scan3A_48 = arith.constant 3 : i32
      %scan3A_49 = arith.addi %scan3A_32, %scan3A_48 : i32
      %mul3A_50 = arith.constant 16 : i32
      %mul3A_51 = arith.muli %scan3A_49, %mul3A_50 : i32
      %swap3A_52 = arith.index_cast %mul3A_51 : i32 to index
      %swap3A_53 = tpu.vector_load %arg5[%swap3A_52] {strides = array<i32>} : memref<100352xi32, #tpu.memory_space<vmem>>, vector<16xi32>,
      tpu.vector_store %arg5[%swap3A_52], %broadcast_in_dim3A_1 {strides = array<i32>} : memref<100352xi32, #tpu.memory_space<vmem>>, vector<16xi32>,
      %scan3A_54 = arith.constant 4 : i32
      %scan3A_55 = arith.addi %scan3A_32, %scan3A_54 : i32
      %mul3A_56 = arith.constant 16 : i32
      %mul3A_57 = arith.muli %scan3A_55, %mul3A_56 : i32
      %swap3A_58 = arith.index_cast %mul3A_57 : i32 to index
      %swap3A_59 = tpu.vector_load %arg5[%swap3A_58] {strides = array<i32>} : memref<100352xi32, #tpu.memory_space<vmem>>, vector<16xi32>,
      tpu.vector_store %arg5[%swap3A_58], %broadcast_in_dim3A_1 {strides = array<i32>} : memref<100352xi32, #tpu.memory_space<vmem>>, vector<16xi32>,
      %scan3A_60 = arith.constant 5 : i32
      %scan3A_61 = arith.addi %scan3A_32, %scan3A_60 : i32
      %mul3A_62 = arith.constant 16 : i32
      %mul3A_63 = arith.muli %scan3A_61, %mul3A_62 : i32
      %swap3A_64 = arith.index_cast %mul3A_63 : i32 to index
      %swap3A_65 = tpu.vector_load %arg5[%swap3A_64] {strides = array<i32>} : memref<100352xi32, #tpu.memory_space<vmem>>, vector<16xi32>,
      tpu.vector_store %arg5[%swap3A_64], %broadcast_in_dim3A_1 {strides = array<i32>} : memref<100352xi32, #tpu.memory_space<vmem>>, vector<16xi32>,
      %scan3A_66 = arith.constant 6 : i32
      %scan3A_67 = arith.addi %scan3A_32, %scan3A_66 : i32
      %mul3A_68 = arith.constant 16 : i32
      %mul3A_69 = arith.muli %scan3A_67, %mul3A_68 : i32
      %swap3A_70 = arith.index_cast %mul3A_69 : i32 to index
      %swap3A_71 = tpu.vector_load %arg5[%swap3A_70] {strides = array<i32>} : memref<100352xi32, #tpu.memory_space<vmem>>, vector<16xi32>,
      tpu.vector_store %arg5[%swap3A_70], %broadcast_in_dim3A_1 {strides = array<i32>} : memref<100352xi32, #tpu.memory_space<vmem>>, vector<16xi32>,
      %scan3A_72 = arith.constant 7 : i32
      %scan3A_73 = arith.addi %scan3A_32, %scan3A_72 : i32
      %mul3A_74 = arith.constant 16 : i32
      %mul3A_75 = arith.muli %scan3A_73, %mul3A_74 : i32
      %swap3A_76 = arith.index_cast %mul3A_75 : i32 to index
      %swap3A_77 = tpu.vector_load %arg5[%swap3A_76] {strides = array<i32>} : memref<100352xi32, #tpu.memory_space<vmem>>, vector<16xi32>,
      tpu.vector_store %arg5[%swap3A_76], %broadcast_in_dim3A_1 {strides = array<i32>} : memref<100352xi32, #tpu.memory_space<vmem>>, vector<16xi32>,
    }
    %scan3A_7 = arith.constant 6272 : i32
    %scan3A_8 = arith.constant 0 : i32
    %scan3A_9 = arith.constant 264 : i32
    %scan3A_10 = arith.addi %scan3A_8, %scan3A_9 : i32
    %scan3A_11 = arith.constant 8 : i32
    scf.for %scan3A_32 = %scan3A_8 to %scan3A_10 step %scan3A_11  : i32 {
      %mul3A_33 = arith.constant 16 : i32
      %mul3A_34 = arith.muli %scan3A_32, %mul3A_33 : i32
      %swap3A = arith.index_cast %mul3A_34 : i32 to index
      %swap3A_35 = tpu.vector_load %arg9[%swap3A] {strides = array<i32>} : memref<4224xi32, #tpu.memory_space<vmem>>, vector<16xi32>,
      tpu.vector_store %arg9[%swap3A], %broadcast_in_dim3A_3 {strides = array<i32>} : memref<4224xi32, #tpu.memory_space<vmem>>, vector<16xi32>,
      %scan3A_36 = arith.constant 1 : i32
      %scan3A_37 = arith.addi %scan3A_32, %scan3A_36 : i32
      %mul3A_38 = arith.constant 16 : i32
      %mul3A_39 = arith.muli %scan3A_37, %mul3A_38 : i32
      %swap3A_40 = arith.index_cast %mul3A_39 : i32 to index
      %swap3A_41 = tpu.vector_load %arg9[%swap3A_40] {strides = array<i32>} : memref<4224xi32, #tpu.memory_space<vmem>>, vector<16xi32>,
      tpu.vector_store %arg9[%swap3A_40], %broadcast_in_dim3A_3 {strides = array<i32>} : memref<4224xi32, #tpu.memory_space<vmem>>, vector<16xi32>,
      %scan3A_42 = arith.constant 2 : i32
      %scan3A_43 = arith.addi %scan3A_32, %scan3A_42 : i32
      %mul3A_44 = arith.constant 16 : i32
      %mul3A_45 = arith.muli %scan3A_43, %mul3A_44 : i32
      %swap3A_46 = arith.index_cast %mul3A_45 : i32 to index
      %swap3A_47 = tpu.vector_load %arg9[%swap3A_46] {strides = array<i32>} : memref<4224xi32, #tpu.memory_space<vmem>>, vector<16xi32>,
      tpu.vector_store %arg9[%swap3A_46], %broadcast_in_dim3A_3 {strides = array<i32>} : memref<4224xi32, #tpu.memory_space<vmem>>, vector<16xi32>,
      %scan3A_48 = arith.constant 3 : i32
      %scan3A_49 = arith.addi %scan3A_32, %scan3A_48 : i32
      %mul3A_50 = arith.constant 16 : i32
      %mul3A_51 = arith.muli %scan3A_49, %mul3A_50 : i32
      %swap3A_52 = arith.index_cast %mul3A_51 : i32 to index
      %swap3A_53 = tpu.vector_load %arg9[%swap3A_52] {strides = array<i32>} : memref<4224xi32, #tpu.memory_space<vmem>>, vector<16xi32>,
      tpu.vector_store %arg9[%swap3A_52], %broadcast_in_dim3A_3 {strides = array<i32>} : memref<4224xi32, #tpu.memory_space<vmem>>, vector<16xi32>,
      %scan3A_54 = arith.constant 4 : i32
      %scan3A_55 = arith.addi %scan3A_32, %scan3A_54 : i32
      %mul3A_56 = arith.constant 16 : i32
      %mul3A_57 = arith.muli %scan3A_55, %mul3A_56 : i32
      %swap3A_58 = arith.index_cast %mul3A_57 : i32 to index
      %swap3A_59 = tpu.vector_load %arg9[%swap3A_58] {strides = array<i32>} : memref<4224xi32, #tpu.memory_space<vmem>>, vector<16xi32>,
      tpu.vector_store %arg9[%swap3A_58], %broadcast_in_dim3A_3 {strides = array<i32>} : memref<4224xi32, #tpu.memory_space<vmem>>, vector<16xi32>,
      %scan3A_60 = arith.constant 5 : i32
      %scan3A_61 = arith.addi %scan3A_32, %scan3A_60 : i32
      %mul3A_62 = arith.constant 16 : i32
      %mul3A_63 = arith.muli %scan3A_61, %mul3A_62 : i32
      %swap3A_64 = arith.index_cast %mul3A_63 : i32 to index
      %swap3A_65 = tpu.vector_load %arg9[%swap3A_64] {strides = array<i32>} : memref<4224xi32, #tpu.memory_space<vmem>>, vector<16xi32>,
      tpu.vector_store %arg9[%swap3A_64], %broadcast_in_dim3A_3 {strides = array<i32>} : memref<4224xi32, #tpu.memory_space<vmem>>, vector<16xi32>,
      %scan3A_66 = arith.constant 6 : i32
      %scan3A_67 = arith.addi %scan3A_32, %scan3A_66 : i32
      %mul3A_68 = arith.constant 16 : i32
      %mul3A_69 = arith.muli %scan3A_67, %mul3A_68 : i32
      %swap3A_70 = arith.index_cast %mul3A_69 : i32 to index
      %swap3A_71 = tpu.vector_load %arg9[%swap3A_70] {strides = array<i32>} : memref<4224xi32, #tpu.memory_space<vmem>>, vector<16xi32>,
      tpu.vector_store %arg9[%swap3A_70], %broadcast_in_dim3A_3 {strides = array<i32>} : memref<4224xi32, #tpu.memory_space<vmem>>, vector<16xi32>,
      %scan3A_72 = arith.constant 7 : i32
      %scan3A_73 = arith.addi %scan3A_32, %scan3A_72 : i32
      %mul3A_74 = arith.constant 16 : i32
      %mul3A_75 = arith.muli %scan3A_73, %mul3A_74 : i32
      %swap3A_76 = arith.index_cast %mul3A_75 : i32 to index
      %swap3A_77 = tpu.vector_load %arg9[%swap3A_76] {strides = array<i32>} : memref<4224xi32, #tpu.memory_space<vmem>>, vector<16xi32>,
      tpu.vector_store %arg9[%swap3A_76], %broadcast_in_dim3A_3 {strides = array<i32>} : memref<4224xi32, #tpu.memory_space<vmem>>, vector<16xi32>,
    }
    %scan3A_12 = arith.constant 264 : i32
    "tpu.region"() ({
      %run_scoped3A = tpu.sem_alloc : memref<!tpu.dma_semaphore, #tpu.memory_space<semaphore_mem>>
      tpu.enqueue_dma source(%arg3 : memref<4096xi32, #tpu.memory_space<hbm>>) target(%arg8 : memref<4096xi32, #tpu.memory_space<vmem>>) target_semaphore(%run_scoped3A : memref<!tpu.dma_semaphore, #tpu.memory_space<semaphore_mem>>)
      tpu.wait_dma2 semaphore(%run_scoped3A : memref<!tpu.dma_semaphore, #tpu.memory_space<semaphore_mem>>) src(%arg3 : memref<4096xi32, #tpu.memory_space<hbm>>) dst(%arg8 : memref<4096xi32, #tpu.memory_space<vmem>>)
      tpu.yield
    }) : () -> ()
    %scan3A_13 = arith.constant 0 : i32
    %scan3A_14 = arith.constant 256 : i32
    %scan3A_15 = arith.addi %scan3A_13, %scan3A_14 : i32
    %scan3A_16 = arith.constant 4 : i32
    scf.for %scan3A_32 = %scan3A_13 to %scan3A_15 step %scan3A_16  : i32 {
      %mul3A_33 = arith.constant 16 : i32
      %mul3A_34 = arith.muli %scan3A_32, %mul3A_33 : i32
      %get3A = arith.index_cast %mul3A_34 : i32 to index
      %get3A_35 = tpu.vector_load %arg8[%get3A] {strides = array<i32>} : memref<4096xi32, #tpu.memory_space<vmem>>, vector<16xi32>,
      %mul3A_36 = arith.constant 16 : i32
      %mul3A_37 = arith.muli %scan3A_32, %mul3A_36 : i32
      %add3A_38 = vector.broadcast %mul3A_37 : i32 to vector<16xi32>
      %add3A_39 = arith.addi %iota3A, %add3A_38 : vector<16xi32>
      tpu.vector_store_idx %arg5[%get3A_35], %add3A_39 : memref<100352xi32, #tpu.memory_space<vmem>>[vector<16xi32>], vector<16xi32>,
      %scan3A_40 = arith.constant 1 : i32
      %scan3A_41 = arith.addi %scan3A_32, %scan3A_40 : i32
      %mul3A_42 = arith.constant 16 : i32
      %mul3A_43 = arith.muli %scan3A_41, %mul3A_42 : i32
      %get3A_44 = arith.index_cast %mul3A_43 : i32 to index
      %get3A_45 = tpu.vector_load %arg8[%get3A_44] {strides = array<i32>} : memref<4096xi32, #tpu.memory_space<vmem>>, vector<16xi32>,
      %mul3A_46 = arith.constant 16 : i32
      %mul3A_47 = arith.muli %scan3A_41, %mul3A_46 : i32
      %add3A_48 = vector.broadcast %mul3A_47 : i32 to vector<16xi32>
      %add3A_49 = arith.addi %iota3A, %add3A_48 : vector<16xi32>
      tpu.vector_store_idx %arg5[%get3A_45], %add3A_49 : memref<100352xi32, #tpu.memory_space<vmem>>[vector<16xi32>], vector<16xi32>,
      %scan3A_50 = arith.constant 2 : i32
      %scan3A_51 = arith.addi %scan3A_32, %scan3A_50 : i32
      %mul3A_52 = arith.constant 16 : i32
      %mul3A_53 = arith.muli %scan3A_51, %mul3A_52 : i32
      %get3A_54 = arith.index_cast %mul3A_53 : i32 to index
      %get3A_55 = tpu.vector_load %arg8[%get3A_54] {strides = array<i32>} : memref<4096xi32, #tpu.memory_space<vmem>>, vector<16xi32>,
      %mul3A_56 = arith.constant 16 : i32
      %mul3A_57 = arith.muli %scan3A_51, %mul3A_56 : i32
      %add3A_58 = vector.broadcast %mul3A_57 : i32 to vector<16xi32>
      %add3A_59 = arith.addi %iota3A, %add3A_58 : vector<16xi32>
      tpu.vector_store_idx %arg5[%get3A_55], %add3A_59 : memref<100352xi32, #tpu.memory_space<vmem>>[vector<16xi32>], vector<16xi32>,
      %scan3A_60 = arith.constant 3 : i32
      %scan3A_61 = arith.addi %scan3A_32, %scan3A_60 : i32
      %mul3A_62 = arith.constant 16 : i32
      %mul3A_63 = arith.muli %scan3A_61, %mul3A_62 : i32
      %get3A_64 = arith.index_cast %mul3A_63 : i32 to index
      %get3A_65 = tpu.vector_load %arg8[%get3A_64] {strides = array<i32>} : memref<4096xi32, #tpu.memory_space<vmem>>, vector<16xi32>,
      %mul3A_66 = arith.constant 16 : i32
      %mul3A_67 = arith.muli %scan3A_61, %mul3A_66 : i32
      %add3A_68 = vector.broadcast %mul3A_67 : i32 to vector<16xi32>
      %add3A_69 = arith.addi %iota3A, %add3A_68 : vector<16xi32>
      tpu.vector_store_idx %arg5[%get3A_65], %add3A_69 : memref<100352xi32, #tpu.memory_space<vmem>>[vector<16xi32>], vector<16xi32>,
    }
    %scan3A_17 = arith.constant 256 : i32
    %mul3A_18 = arith.constant 100000 : i32
    %mul3A_19 = arith.muli %add3A, %mul3A_18 : i32
    %broadcast_in_dim3A_20 = arith.constant 1 : i32
    %broadcast_in_dim3A_21 = vector.broadcast %broadcast_in_dim3A_20 : i32 to vector<16xi32>
    %dma_start3A = tpu.memref_slice %arg2[%mul3A_19] : memref<6400000xi32, #tpu.memory_space<hbm>> -> memref<2000xi32, #tpu.memory_space<hbm>>
    %dma_start3A_22 = tpu.memref_slice %arg2[%mul3A_19] : memref<6400000xi32, #tpu.memory_space<hbm>> -> memref<2000xi32, #tpu.memory_space<hbm>>
    tpu.enqueue_dma source(%dma_start3A_22 : memref<2000xi32, #tpu.memory_space<hbm>>) target(%arg6 : memref<2000xi32, #tpu.memory_space<vmem>>) target_semaphore(%arg10 : memref<!tpu.dma_semaphore, #tpu.memory_space<semaphore_mem>>)
    %add3A_23 = arith.constant 2000 : i32
    %add3A_24 = arith.addi %mul3A_19, %add3A_23 : i32
    %dma_start3A_25 = tpu.memref_slice %arg2[%add3A_24] : memref<6400000xi32, #tpu.memory_space<hbm>> -> memref<2000xi32, #tpu.memory_space<hbm>>
    %dma_start3A_26 = tpu.memref_slice %arg2[%add3A_24] : memref<6400000xi32, #tpu.memory_space<hbm>> -> memref<2000xi32, #tpu.memory_space<hbm>>
    tpu.enqueue_dma source(%dma_start3A_26 : memref<2000xi32, #tpu.memory_space<hbm>>) target(%arg7 : memref<2000xi32, #tpu.memory_space<vmem>>) target_semaphore(%arg11 : memref<!tpu.dma_semaphore, #tpu.memory_space<semaphore_mem>>)
    %scan3A_27 = arith.constant 0 : i32
    %scan3A_28 = arith.constant 25 : i32
    %scan3A_29 = arith.addi %scan3A_27, %scan3A_28 : i32
    %scan3A_30 = arith.constant 1 : i32
    scf.for %scan3A_32 = %scan3A_27 to %scan3A_29 step %scan3A_30  : i32 {
      %mul3A_33 = arith.constant 2 : i32
      %mul3A_34 = arith.muli %mul3A_33, %scan3A_32 : i32
      %mul3A_35 = arith.constant 2000 : i32
      %mul3A_36 = arith.muli %mul3A_34, %mul3A_35 : i32
      %add3A_37 = arith.addi %mul3A_19, %mul3A_36 : i32
      %dma_wait3A = tpu.memref_slice %arg2[%add3A_37] : memref<6400000xi32, #tpu.memory_space<hbm>> -> memref<2000xi32, #tpu.memory_space<hbm>>
      %dma_wait3A_38 = tpu.memref_slice %arg2[%add3A_37] : memref<6400000xi32, #tpu.memory_space<hbm>> -> memref<2000xi32, #tpu.memory_space<hbm>>
      tpu.wait_dma2 semaphore(%arg10 : memref<!tpu.dma_semaphore, #tpu.memory_space<semaphore_mem>>) src(%dma_wait3A_38 : memref<2000xi32, #tpu.memory_space<hbm>>) dst(%arg6 : memref<2000xi32, #tpu.memory_space<vmem>>)
      %scan3A_39 = arith.constant 0 : i32
      %scan3A_40 = arith.constant 125 : i32
      %scan3A_41 = arith.addi %scan3A_39, %scan3A_40 : i32
      %scan3A_42 = arith.constant 5 : i32
      scf.for %scan3A_60 = %scan3A_39 to %scan3A_41 step %scan3A_42  : i32 {
        %mul3A_61 = arith.constant 16 : i32
        %mul3A_62 = arith.muli %scan3A_60, %mul3A_61 : i32
        %get3A = arith.index_cast %mul3A_62 : i32 to index
        %get3A_63 = tpu.vector_load %arg6[%get3A] {strides = array<i32>} : memref<2000xi32, #tpu.memory_space<vmem>>, vector<16xi32>,
        %gather3A = tpu.vector_load_idx %arg5[%get3A_63] : memref<100352xi32, #tpu.memory_space<vmem>>[vector<16xi32>], vector<16xi32>,
        tpu.vector_store_idx %arg9[%gather3A], %broadcast_in_dim3A_21 : memref<4224xi32, #tpu.memory_space<vmem>>[vector<16xi32>], vector<16xi32>,
        %scan3A_64 = arith.constant 1 : i32
        %scan3A_65 = arith.addi %scan3A_60, %scan3A_64 : i32
        %mul3A_66 = arith.constant 16 : i32
        %mul3A_67 = arith.muli %scan3A_65, %mul3A_66 : i32
        %get3A_68 = arith.index_cast %mul3A_67 : i32 to index
        %get3A_69 = tpu.vector_load %arg6[%get3A_68] {strides = array<i32>} : memref<2000xi32, #tpu.memory_space<vmem>>, vector<16xi32>,
        %gather3A_70 = tpu.vector_load_idx %arg5[%get3A_69] : memref<100352xi32, #tpu.memory_space<vmem>>[vector<16xi32>], vector<16xi32>,
        tpu.vector_store_idx %arg9[%gather3A_70], %broadcast_in_dim3A_21 : memref<4224xi32, #tpu.memory_space<vmem>>[vector<16xi32>], vector<16xi32>,
        %scan3A_71 = arith.constant 2 : i32
        %scan3A_72 = arith.addi %scan3A_60, %scan3A_71 : i32
        %mul3A_73 = arith.constant 16 : i32
        %mul3A_74 = arith.muli %scan3A_72, %mul3A_73 : i32
        %get3A_75 = arith.index_cast %mul3A_74 : i32 to index
        %get3A_76 = tpu.vector_load %arg6[%get3A_75] {strides = array<i32>} : memref<2000xi32, #tpu.memory_space<vmem>>, vector<16xi32>,
        %gather3A_77 = tpu.vector_load_idx %arg5[%get3A_76] : memref<100352xi32, #tpu.memory_space<vmem>>[vector<16xi32>], vector<16xi32>,
        tpu.vector_store_idx %arg9[%gather3A_77], %broadcast_in_dim3A_21 : memref<4224xi32, #tpu.memory_space<vmem>>[vector<16xi32>], vector<16xi32>,
        %scan3A_78 = arith.constant 3 : i32
        %scan3A_79 = arith.addi %scan3A_60, %scan3A_78 : i32
        %mul3A_80 = arith.constant 16 : i32
        %mul3A_81 = arith.muli %scan3A_79, %mul3A_80 : i32
        %get3A_82 = arith.index_cast %mul3A_81 : i32 to index
        %get3A_83 = tpu.vector_load %arg6[%get3A_82] {strides = array<i32>} : memref<2000xi32, #tpu.memory_space<vmem>>, vector<16xi32>,
        %gather3A_84 = tpu.vector_load_idx %arg5[%get3A_83] : memref<100352xi32, #tpu.memory_space<vmem>>[vector<16xi32>], vector<16xi32>,
        tpu.vector_store_idx %arg9[%gather3A_84], %broadcast_in_dim3A_21 : memref<4224xi32, #tpu.memory_space<vmem>>[vector<16xi32>], vector<16xi32>,
        %scan3A_85 = arith.constant 4 : i32
        %scan3A_86 = arith.addi %scan3A_60, %scan3A_85 : i32
        %mul3A_87 = arith.constant 16 : i32
        %mul3A_88 = arith.muli %scan3A_86, %mul3A_87 : i32
        %get3A_89 = arith.index_cast %mul3A_88 : i32 to index
        %get3A_90 = tpu.vector_load %arg6[%get3A_89] {strides = array<i32>} : memref<2000xi32, #tpu.memory_space<vmem>>, vector<16xi32>,
        %gather3A_91 = tpu.vector_load_idx %arg5[%get3A_90] : memref<100352xi32, #tpu.memory_space<vmem>>[vector<16xi32>], vector<16xi32>,
        tpu.vector_store_idx %arg9[%gather3A_91], %broadcast_in_dim3A_21 : memref<4224xi32, #tpu.memory_space<vmem>>[vector<16xi32>], vector<16xi32>,
      }
      %scan3A_43 = arith.constant 125 : i32
      %lt3A = arith.constant 24 : i32
      %lt3A_44 = arith.cmpi slt, %scan3A_32, %lt3A : i32
      %convert_element_type3A = arith.extui %lt3A_44 : i1 to i32
      %cond3A = arith.constant 0 : i32
      %cond3A_45 = arith.cmpi ne, %convert_element_type3A, %cond3A : i32
      scf.if %cond3A_45 {
        %add3A_60 = arith.constant 4000 : i32
        %add3A_61 = arith.addi %add3A_37, %add3A_60 : i32
        %dma_start3A_62 = tpu.memref_slice %arg2[%add3A_61] : memref<6400000xi32, #tpu.memory_space<hbm>> -> memref<2000xi32, #tpu.memory_space<hbm>>
        %dma_start3A_63 = tpu.memref_slice %arg2[%add3A_61] : memref<6400000xi32, #tpu.memory_space<hbm>> -> memref<2000xi32, #tpu.memory_space<hbm>>
        tpu.enqueue_dma source(%dma_start3A_63 : memref<2000xi32, #tpu.memory_space<hbm>>) target(%arg6 : memref<2000xi32, #tpu.memory_space<vmem>>) target_semaphore(%arg10 : memref<!tpu.dma_semaphore, #tpu.memory_space<semaphore_mem>>)
      } else {
      }
      %add3A_46 = arith.constant 2000 : i32
      %add3A_47 = arith.addi %add3A_37, %add3A_46 : i32
      %dma_wait3A_48 = tpu.memref_slice %arg2[%add3A_47] : memref<6400000xi32, #tpu.memory_space<hbm>> -> memref<2000xi32, #tpu.memory_space<hbm>>
      %dma_wait3A_49 = tpu.memref_slice %arg2[%add3A_47] : memref<6400000xi32, #tpu.memory_space<hbm>> -> memref<2000xi32, #tpu.memory_space<hbm>>
      tpu.wait_dma2 semaphore(%arg11 : memref<!tpu.dma_semaphore, #tpu.memory_space<semaphore_mem>>) src(%dma_wait3A_49 : memref<2000xi32, #tpu.memory_space<hbm>>) dst(%arg7 : memref<2000xi32, #tpu.memory_space<vmem>>)
      %scan3A_50 = arith.constant 0 : i32
      %scan3A_51 = arith.constant 125 : i32
      %scan3A_52 = arith.addi %scan3A_50, %scan3A_51 : i32
      %scan3A_53 = arith.constant 5 : i32
      scf.for %scan3A_60 = %scan3A_50 to %scan3A_52 step %scan3A_53  : i32 {
        %mul3A_61 = arith.constant 16 : i32
        %mul3A_62 = arith.muli %scan3A_60, %mul3A_61 : i32
        %get3A = arith.index_cast %mul3A_62 : i32 to index
        %get3A_63 = tpu.vector_load %arg7[%get3A] {strides = array<i32>} : memref<2000xi32, #tpu.memory_space<vmem>>, vector<16xi32>,
        %gather3A = tpu.vector_load_idx %arg5[%get3A_63] : memref<100352xi32, #tpu.memory_space<vmem>>[vector<16xi32>], vector<16xi32>,
        tpu.vector_store_idx %arg9[%gather3A], %broadcast_in_dim3A_21 : memref<4224xi32, #tpu.memory_space<vmem>>[vector<16xi32>], vector<16xi32>,
        %scan3A_64 = arith.constant 1 : i32
        %scan3A_65 = arith.addi %scan3A_60, %scan3A_64 : i32
        %mul3A_66 = arith.constant 16 : i32
        %mul3A_67 = arith.muli %scan3A_65, %mul3A_66 : i32
        %get3A_68 = arith.index_cast %mul3A_67 : i32 to index
        %get3A_69 = tpu.vector_load %arg7[%get3A_68] {strides = array<i32>} : memref<2000xi32, #tpu.memory_space<vmem>>, vector<16xi32>,
        %gather3A_70 = tpu.vector_load_idx %arg5[%get3A_69] : memref<100352xi32, #tpu.memory_space<vmem>>[vector<16xi32>], vector<16xi32>,
        tpu.vector_store_idx %arg9[%gather3A_70], %broadcast_in_dim3A_21 : memref<4224xi32, #tpu.memory_space<vmem>>[vector<16xi32>], vector<16xi32>,
        %scan3A_71 = arith.constant 2 : i32
        %scan3A_72 = arith.addi %scan3A_60, %scan3A_71 : i32
        %mul3A_73 = arith.constant 16 : i32
        %mul3A_74 = arith.muli %scan3A_72, %mul3A_73 : i32
        %get3A_75 = arith.index_cast %mul3A_74 : i32 to index
        %get3A_76 = tpu.vector_load %arg7[%get3A_75] {strides = array<i32>} : memref<2000xi32, #tpu.memory_space<vmem>>, vector<16xi32>,
        %gather3A_77 = tpu.vector_load_idx %arg5[%get3A_76] : memref<100352xi32, #tpu.memory_space<vmem>>[vector<16xi32>], vector<16xi32>,
        tpu.vector_store_idx %arg9[%gather3A_77], %broadcast_in_dim3A_21 : memref<4224xi32, #tpu.memory_space<vmem>>[vector<16xi32>], vector<16xi32>,
        %scan3A_78 = arith.constant 3 : i32
        %scan3A_79 = arith.addi %scan3A_60, %scan3A_78 : i32
        %mul3A_80 = arith.constant 16 : i32
        %mul3A_81 = arith.muli %scan3A_79, %mul3A_80 : i32
        %get3A_82 = arith.index_cast %mul3A_81 : i32 to index
        %get3A_83 = tpu.vector_load %arg7[%get3A_82] {strides = array<i32>} : memref<2000xi32, #tpu.memory_space<vmem>>, vector<16xi32>,
        %gather3A_84 = tpu.vector_load_idx %arg5[%get3A_83] : memref<100352xi32, #tpu.memory_space<vmem>>[vector<16xi32>], vector<16xi32>,
        tpu.vector_store_idx %arg9[%gather3A_84], %broadcast_in_dim3A_21 : memref<4224xi32, #tpu.memory_space<vmem>>[vector<16xi32>], vector<16xi32>,
        %scan3A_85 = arith.constant 4 : i32
        %scan3A_86 = arith.addi %scan3A_60, %scan3A_85 : i32
        %mul3A_87 = arith.constant 16 : i32
        %mul3A_88 = arith.muli %scan3A_86, %mul3A_87 : i32
        %get3A_89 = arith.index_cast %mul3A_88 : i32 to index
        %get3A_90 = tpu.vector_load %arg7[%get3A_89] {strides = array<i32>} : memref<2000xi32, #tpu.memory_space<vmem>>, vector<16xi32>,
        %gather3A_91 = tpu.vector_load_idx %arg5[%get3A_90] : memref<100352xi32, #tpu.memory_space<vmem>>[vector<16xi32>], vector<16xi32>,
        tpu.vector_store_idx %arg9[%gather3A_91], %broadcast_in_dim3A_21 : memref<4224xi32, #tpu.memory_space<vmem>>[vector<16xi32>], vector<16xi32>,
      }
      %scan3A_54 = arith.constant 125 : i32
      %lt3A_55 = arith.constant 24 : i32
      %lt3A_56 = arith.cmpi slt, %scan3A_32, %lt3A_55 : i32
      %convert_element_type3A_57 = arith.extui %lt3A_56 : i1 to i32
      %cond3A_58 = arith.constant 0 : i32
      %cond3A_59 = arith.cmpi ne, %convert_element_type3A_57, %cond3A_58 : i32
      scf.if %cond3A_59 {
        %add3A_60 = arith.constant 4000 : i32
        %add3A_61 = arith.addi %add3A_47, %add3A_60 : i32
        %dma_start3A_62 = tpu.memref_slice %arg2[%add3A_61] : memref<6400000xi32, #tpu.memory_space<hbm>> -> memref<2000xi32, #tpu.memory_space<hbm>>
        %dma_start3A_63 = tpu.memref_slice %arg2[%add3A_61] : memref<6400000xi32, #tpu.memory_space<hbm>> -> memref<2000xi32, #tpu.memory_space<hbm>>
        tpu.enqueue_dma source(%dma_start3A_63 : memref<2000xi32, #tpu.memory_space<hbm>>) target(%arg7 : memref<2000xi32, #tpu.memory_space<vmem>>) target_semaphore(%arg11 : memref<!tpu.dma_semaphore, #tpu.memory_space<semaphore_mem>>)
      } else {
      }
    }
    %scan3A_31 = arith.constant 25 : i32
    "tpu.region"() ({
      %run_scoped3A = tpu.sem_alloc : memref<!tpu.dma_semaphore, #tpu.memory_space<semaphore_mem>>
      %dma_start3A_32 = arith.constant 0 : i32
      %dma_start3A_33 = tpu.memref_slice %arg9[%dma_start3A_32] : memref<4224xi32, #tpu.memory_space<vmem>> -> memref<4096xi32, #tpu.memory_space<vmem>>
      %dma_start3A_34 = arith.constant 0 : i32
      %dma_start3A_35 = tpu.memref_slice %arg4[%add3A, %dma_start3A_34] : memref<32x4096xi32, #tpu.memory_space<hbm>> -> memref<1x4096xi32, #tpu.memory_space<hbm>>
      %dma_start3A_36 = tpu.memref_squeeze %dma_start3A_35 : memref<1x4096xi32, #tpu.memory_space<hbm>> -> memref<4096xi32, #tpu.memory_space<hbm>>
      %dma_start3A_37 = arith.constant 0 : i32
      %dma_start3A_38 = tpu.memref_slice %arg4[%add3A, %dma_start3A_37] : memref<32x4096xi32, #tpu.memory_space<hbm>> -> memref<1x4096xi32, #tpu.memory_space<hbm>>
      %dma_start3A_39 = tpu.memref_squeeze %dma_start3A_38 : memref<1x4096xi32, #tpu.memory_space<hbm>> -> memref<4096xi32, #tpu.memory_space<hbm>>
      %dma_start3A_40 = arith.constant 0 : i32
      %dma_start3A_41 = tpu.memref_slice %arg9[%dma_start3A_40] : memref<4224xi32, #tpu.memory_space<vmem>> -> memref<4096xi32, #tpu.memory_space<vmem>>
      tpu.enqueue_dma source(%dma_start3A_41 : memref<4096xi32, #tpu.memory_space<vmem>>) target(%dma_start3A_39 : memref<4096xi32, #tpu.memory_space<hbm>>) target_semaphore(%run_scoped3A : memref<!tpu.dma_semaphore, #tpu.memory_space<semaphore_mem>>)
      %dma_wait3A = arith.constant 0 : i32
      %dma_wait3A_42 = tpu.memref_slice %arg9[%dma_wait3A] : memref<4224xi32, #tpu.memory_space<vmem>> -> memref<4096xi32, #tpu.memory_space<vmem>>
      %dma_wait3A_43 = arith.constant 0 : i32
      %dma_wait3A_44 = tpu.memref_slice %arg4[%add3A, %dma_wait3A_43] : memref<32x4096xi32, #tpu.memory_space<hbm>> -> memref<1x4096xi32, #tpu.memory_space<hbm>>
      %dma_wait3A_45 = tpu.memref_squeeze %dma_wait3A_44 : memref<1x4096xi32, #tpu.memory_space<hbm>> -> memref<4096xi32, #tpu.memory_space<hbm>>
      %dma_wait3A_46 = arith.constant 0 : i32
      %dma_wait3A_47 = tpu.memref_slice %arg4[%add3A, %dma_wait3A_46] : memref<32x4096xi32, #tpu.memory_space<hbm>> -> memref<1x4096xi32, #tpu.memory_space<hbm>>
      %dma_wait3A_48 = tpu.memref_squeeze %dma_wait3A_47 : memref<1x4096xi32, #tpu.memory_space<hbm>> -> memref<4096xi32, #tpu.memory_space<hbm>>
      %dma_wait3A_49 = arith.constant 0 : i32
      %dma_wait3A_50 = tpu.memref_slice %arg9[%dma_wait3A_49] : memref<4224xi32, #tpu.memory_space<vmem>> -> memref<4096xi32, #tpu.memory_space<vmem>>
      tpu.wait_dma2 semaphore(%run_scoped3A : memref<!tpu.dma_semaphore, #tpu.memory_space<semaphore_mem>>) src(%dma_wait3A_50 : memref<4096xi32, #tpu.memory_space<vmem>>) dst(%dma_wait3A_48 : memref<4096xi32, #tpu.memory_space<hbm>>)
      tpu.yield
    }) : () -> ()
    return
  }
}

#map = affine_map<(d0, d1) -> (0)>
#map1 = affine_map<(d0, d1) -> (0, 0)>
module attributes {stable_mosaic.version = 14 : i64} {
  func.func @_dup_hist_body(%arg0: i32, %arg1: i32, %arg2: memref<4096xi32, #tpu.memory_space<hbm>>, %arg3: memref<4096xi32, #tpu.memory_space<hbm>>, %arg4: memref<32x16xi32, #tpu.memory_space<hbm>>, %arg5: memref<32x640xi32, #tpu.memory_space<hbm>>, %arg6: memref<100352xi32, #tpu.memory_space<vmem>>, %arg7: memref<4096xi32, #tpu.memory_space<vmem>>, %arg8: memref<128xi32, #tpu.memory_space<vmem>>, %arg9: memref<10240xi32, #tpu.memory_space<vmem>>, %arg10: memref<640xi32, #tpu.memory_space<vmem>>, %arg11: memref<16xi32, #tpu.memory_space<vmem>>) attributes {dimension_semantics = [#tpu.dimension_semantics<core_parallel>, #tpu.dimension_semantics<subcore_parallel>], iteration_bounds = array<i64: 2, 16>, scalar_prefetch = 0 : i64, scratch_operands = 6 : i64, tpu.core_type = #tpu.core_type<sc_vector_subcore>, window_params = [{transform_indices = #map}, {transform_indices = #map}, {transform_indices = #map1}, {transform_indices = #map1}]} {
    %mul3A = arith.constant 2 : i32
    %mul3A_0 = arith.muli %arg1, %mul3A : i32
    %add3A = arith.addi %mul3A_0, %arg0 : i32
    %iota3A = tpu.iota {dimensions = array<i32: 0>} : vector<16xi32>
    %broadcast_in_dim3A = arith.constant 0 : i32
    %broadcast_in_dim3A_1 = vector.broadcast %broadcast_in_dim3A : i32 to vector<16xi32>
    "tpu.region"() ({
      %run_scoped3A = tpu.sem_alloc : memref<!tpu.dma_semaphore, #tpu.memory_space<semaphore_mem>>
      tpu.enqueue_dma source(%arg2 : memref<4096xi32, #tpu.memory_space<hbm>>) target(%arg7 : memref<4096xi32, #tpu.memory_space<vmem>>) target_semaphore(%run_scoped3A : memref<!tpu.dma_semaphore, #tpu.memory_space<semaphore_mem>>)
      tpu.wait_dma2 semaphore(%run_scoped3A : memref<!tpu.dma_semaphore, #tpu.memory_space<semaphore_mem>>) src(%arg2 : memref<4096xi32, #tpu.memory_space<hbm>>) dst(%arg7 : memref<4096xi32, #tpu.memory_space<vmem>>)
      tpu.yield
    }) : () -> ()
    %scan3A = arith.constant 0 : i32
    %scan3A_2 = arith.constant 256 : i32
    %scan3A_3 = arith.addi %scan3A, %scan3A_2 : i32
    %scan3A_4 = arith.constant 4 : i32
    scf.for %scan3A_32 = %scan3A to %scan3A_3 step %scan3A_4  : i32 {
      %mul3A_33 = arith.constant 16 : i32
      %mul3A_34 = arith.muli %scan3A_32, %mul3A_33 : i32
      %get3A = arith.index_cast %mul3A_34 : i32 to index
      %get3A_35 = tpu.vector_load %arg7[%get3A] {strides = array<i32>} : memref<4096xi32, #tpu.memory_space<vmem>>, vector<16xi32>,
      %mul3A_36 = arith.constant 16 : i32
      %mul3A_37 = arith.muli %scan3A_32, %mul3A_36 : i32
      %add3A_38 = vector.broadcast %mul3A_37 : i32 to vector<16xi32>
      %add3A_39 = arith.addi %iota3A, %add3A_38 : vector<16xi32>
      tpu.vector_store_idx %arg6[%get3A_35], %add3A_39 : memref<100352xi32, #tpu.memory_space<vmem>>[vector<16xi32>], vector<16xi32>,
      %scan3A_40 = arith.constant 1 : i32
      %scan3A_41 = arith.addi %scan3A_32, %scan3A_40 : i32
      %mul3A_42 = arith.constant 16 : i32
      %mul3A_43 = arith.muli %scan3A_41, %mul3A_42 : i32
      %get3A_44 = arith.index_cast %mul3A_43 : i32 to index
      %get3A_45 = tpu.vector_load %arg7[%get3A_44] {strides = array<i32>} : memref<4096xi32, #tpu.memory_space<vmem>>, vector<16xi32>,
      %mul3A_46 = arith.constant 16 : i32
      %mul3A_47 = arith.muli %scan3A_41, %mul3A_46 : i32
      %add3A_48 = vector.broadcast %mul3A_47 : i32 to vector<16xi32>
      %add3A_49 = arith.addi %iota3A, %add3A_48 : vector<16xi32>
      tpu.vector_store_idx %arg6[%get3A_45], %add3A_49 : memref<100352xi32, #tpu.memory_space<vmem>>[vector<16xi32>], vector<16xi32>,
      %scan3A_50 = arith.constant 2 : i32
      %scan3A_51 = arith.addi %scan3A_32, %scan3A_50 : i32
      %mul3A_52 = arith.constant 16 : i32
      %mul3A_53 = arith.muli %scan3A_51, %mul3A_52 : i32
      %get3A_54 = arith.index_cast %mul3A_53 : i32 to index
      %get3A_55 = tpu.vector_load %arg7[%get3A_54] {strides = array<i32>} : memref<4096xi32, #tpu.memory_space<vmem>>, vector<16xi32>,
      %mul3A_56 = arith.constant 16 : i32
      %mul3A_57 = arith.muli %scan3A_51, %mul3A_56 : i32
      %add3A_58 = vector.broadcast %mul3A_57 : i32 to vector<16xi32>
      %add3A_59 = arith.addi %iota3A, %add3A_58 : vector<16xi32>
      tpu.vector_store_idx %arg6[%get3A_55], %add3A_59 : memref<100352xi32, #tpu.memory_space<vmem>>[vector<16xi32>], vector<16xi32>,
      %scan3A_60 = arith.constant 3 : i32
      %scan3A_61 = arith.addi %scan3A_32, %scan3A_60 : i32
      %mul3A_62 = arith.constant 16 : i32
      %mul3A_63 = arith.muli %scan3A_61, %mul3A_62 : i32
      %get3A_64 = arith.index_cast %mul3A_63 : i32 to index
      %get3A_65 = tpu.vector_load %arg7[%get3A_64] {strides = array<i32>} : memref<4096xi32, #tpu.memory_space<vmem>>, vector<16xi32>,
      %mul3A_66 = arith.constant 16 : i32
      %mul3A_67 = arith.muli %scan3A_61, %mul3A_66 : i32
      %add3A_68 = vector.broadcast %mul3A_67 : i32 to vector<16xi32>
      %add3A_69 = arith.addi %iota3A, %add3A_68 : vector<16xi32>
      tpu.vector_store_idx %arg6[%get3A_65], %add3A_69 : memref<100352xi32, #tpu.memory_space<vmem>>[vector<16xi32>], vector<16xi32>,
    }
    %scan3A_5 = arith.constant 256 : i32
    %scan3A_6 = arith.constant 0 : i32
    %scan3A_7 = arith.constant 8 : i32
    %scan3A_8 = arith.addi %scan3A_6, %scan3A_7 : i32
    %scan3A_9 = arith.constant 4 : i32
    %scan3A_10 = scf.for %scan3A_32 = %scan3A_6 to %scan3A_8 step %scan3A_9 iter_args(%scan3A_33 = %broadcast_in_dim3A_1) -> (vector<16xi32>)  : i32 {
      %mul3A_34 = arith.constant 128 : i32
      %mul3A_35 = arith.muli %add3A, %mul3A_34 : i32
      %mul3A_36 = arith.constant 16 : i32
      %mul3A_37 = arith.muli %scan3A_32, %mul3A_36 : i32
      %add3A_38 = arith.addi %mul3A_35, %mul3A_37 : i32
      %get3A = arith.index_cast %add3A_38 : i32 to index
      %get3A_39 = tpu.vector_load %arg7[%get3A] {strides = array<i32>} : memref<4096xi32, #tpu.memory_space<vmem>>, vector<16xi32>,
      %gather3A = tpu.vector_load_idx %arg6[%get3A_39] : memref<100352xi32, #tpu.memory_space<vmem>>[vector<16xi32>], vector<16xi32>,
      %add3A_40 = vector.broadcast %add3A_38 : i32 to vector<16xi32>
      %add3A_41 = arith.addi %iota3A, %add3A_40 : vector<16xi32>
      %ne3A = arith.cmpi ne, %gather3A, %add3A_41 : vector<16xi32>
      %convert_element_type3A = arith.extui %ne3A : vector<16xi1> to vector<16xi32>
      %or3A = arith.ori %scan3A_33, %convert_element_type3A : vector<16xi32>
      %scan3A_42 = arith.constant 1 : i32
      %scan3A_43 = arith.addi %scan3A_32, %scan3A_42 : i32
      %mul3A_44 = arith.constant 128 : i32
      %mul3A_45 = arith.muli %add3A, %mul3A_44 : i32
      %mul3A_46 = arith.constant 16 : i32
      %mul3A_47 = arith.muli %scan3A_43, %mul3A_46 : i32
      %add3A_48 = arith.addi %mul3A_45, %mul3A_47 : i32
      %get3A_49 = arith.index_cast %add3A_48 : i32 to index
      %get3A_50 = tpu.vector_load %arg7[%get3A_49] {strides = array<i32>} : memref<4096xi32, #tpu.memory_space<vmem>>, vector<16xi32>,
      %gather3A_51 = tpu.vector_load_idx %arg6[%get3A_50] : memref<100352xi32, #tpu.memory_space<vmem>>[vector<16xi32>], vector<16xi32>,
      %add3A_52 = vector.broadcast %add3A_48 : i32 to vector<16xi32>
      %add3A_53 = arith.addi %iota3A, %add3A_52 : vector<16xi32>
      %ne3A_54 = arith.cmpi ne, %gather3A_51, %add3A_53 : vector<16xi32>
      %convert_element_type3A_55 = arith.extui %ne3A_54 : vector<16xi1> to vector<16xi32>
      %or3A_56 = arith.ori %or3A, %convert_element_type3A_55 : vector<16xi32>
      %scan3A_57 = arith.constant 2 : i32
      %scan3A_58 = arith.addi %scan3A_32, %scan3A_57 : i32
      %mul3A_59 = arith.constant 128 : i32
      %mul3A_60 = arith.muli %add3A, %mul3A_59 : i32
      %mul3A_61 = arith.constant 16 : i32
      %mul3A_62 = arith.muli %scan3A_58, %mul3A_61 : i32
      %add3A_63 = arith.addi %mul3A_60, %mul3A_62 : i32
      %get3A_64 = arith.index_cast %add3A_63 : i32 to index
      %get3A_65 = tpu.vector_load %arg7[%get3A_64] {strides = array<i32>} : memref<4096xi32, #tpu.memory_space<vmem>>, vector<16xi32>,
      %gather3A_66 = tpu.vector_load_idx %arg6[%get3A_65] : memref<100352xi32, #tpu.memory_space<vmem>>[vector<16xi32>], vector<16xi32>,
      %add3A_67 = vector.broadcast %add3A_63 : i32 to vector<16xi32>
      %add3A_68 = arith.addi %iota3A, %add3A_67 : vector<16xi32>
      %ne3A_69 = arith.cmpi ne, %gather3A_66, %add3A_68 : vector<16xi32>
      %convert_element_type3A_70 = arith.extui %ne3A_69 : vector<16xi1> to vector<16xi32>
      %or3A_71 = arith.ori %or3A_56, %convert_element_type3A_70 : vector<16xi32>
      %scan3A_72 = arith.constant 3 : i32
      %scan3A_73 = arith.addi %scan3A_32, %scan3A_72 : i32
      %mul3A_74 = arith.constant 128 : i32
      %mul3A_75 = arith.muli %add3A, %mul3A_74 : i32
      %mul3A_76 = arith.constant 16 : i32
      %mul3A_77 = arith.muli %scan3A_73, %mul3A_76 : i32
      %add3A_78 = arith.addi %mul3A_75, %mul3A_77 : i32
      %get3A_79 = arith.index_cast %add3A_78 : i32 to index
      %get3A_80 = tpu.vector_load %arg7[%get3A_79] {strides = array<i32>} : memref<4096xi32, #tpu.memory_space<vmem>>, vector<16xi32>,
      %gather3A_81 = tpu.vector_load_idx %arg6[%get3A_80] : memref<100352xi32, #tpu.memory_space<vmem>>[vector<16xi32>], vector<16xi32>,
      %add3A_82 = vector.broadcast %add3A_78 : i32 to vector<16xi32>
      %add3A_83 = arith.addi %iota3A, %add3A_82 : vector<16xi32>
      %ne3A_84 = arith.cmpi ne, %gather3A_81, %add3A_83 : vector<16xi32>
      %convert_element_type3A_85 = arith.extui %ne3A_84 : vector<16xi1> to vector<16xi32>
      %or3A_86 = arith.ori %or3A_71, %convert_element_type3A_85 : vector<16xi32>
      scf.yield %or3A_86 : vector<16xi32>
    }
    %scan3A_11 = arith.constant 8 : i32
    %swap3A = arith.constant 0 : index
    %swap3A_12 = tpu.vector_load %arg11[%swap3A] {strides = array<i32>} : memref<16xi32, #tpu.memory_space<vmem>>, vector<16xi32>,
    tpu.vector_store %arg11[%swap3A], %scan3A_10 {strides = array<i32>} : memref<16xi32, #tpu.memory_space<vmem>>, vector<16xi32>,
    "tpu.region"() ({
      %run_scoped3A = tpu.sem_alloc : memref<!tpu.dma_semaphore, #tpu.memory_space<semaphore_mem>>
      %dma_start3A = arith.constant 0 : i32
      %dma_start3A_32 = tpu.memref_slice %arg4[%add3A, %dma_start3A] : memref<32x16xi32, #tpu.memory_space<hbm>> -> memref<1x16xi32, #tpu.memory_space<hbm>>
      %dma_start3A_33 = tpu.memref_squeeze %dma_start3A_32 : memref<1x16xi32, #tpu.memory_space<hbm>> -> memref<16xi32, #tpu.memory_space<hbm>>
      %dma_start3A_34 = arith.constant 0 : i32
      %dma_start3A_35 = tpu.memref_slice %arg4[%add3A, %dma_start3A_34] : memref<32x16xi32, #tpu.memory_space<hbm>> -> memref<1x16xi32, #tpu.memory_space<hbm>>
      %dma_start3A_36 = tpu.memref_squeeze %dma_start3A_35 : memref<1x16xi32, #tpu.memory_space<hbm>> -> memref<16xi32, #tpu.memory_space<hbm>>
      tpu.enqueue_dma source(%arg11 : memref<16xi32, #tpu.memory_space<vmem>>) target(%dma_start3A_36 : memref<16xi32, #tpu.memory_space<hbm>>) target_semaphore(%run_scoped3A : memref<!tpu.dma_semaphore, #tpu.memory_space<semaphore_mem>>)
      %dma_wait3A = arith.constant 0 : i32
      %dma_wait3A_37 = tpu.memref_slice %arg4[%add3A, %dma_wait3A] : memref<32x16xi32, #tpu.memory_space<hbm>> -> memref<1x16xi32, #tpu.memory_space<hbm>>
      %dma_wait3A_38 = tpu.memref_squeeze %dma_wait3A_37 : memref<1x16xi32, #tpu.memory_space<hbm>> -> memref<16xi32, #tpu.memory_space<hbm>>
      %dma_wait3A_39 = arith.constant 0 : i32
      %dma_wait3A_40 = tpu.memref_slice %arg4[%add3A, %dma_wait3A_39] : memref<32x16xi32, #tpu.memory_space<hbm>> -> memref<1x16xi32, #tpu.memory_space<hbm>>
      %dma_wait3A_41 = tpu.memref_squeeze %dma_wait3A_40 : memref<1x16xi32, #tpu.memory_space<hbm>> -> memref<16xi32, #tpu.memory_space<hbm>>
      tpu.wait_dma2 semaphore(%run_scoped3A : memref<!tpu.dma_semaphore, #tpu.memory_space<semaphore_mem>>) src(%arg11 : memref<16xi32, #tpu.memory_space<vmem>>) dst(%dma_wait3A_41 : memref<16xi32, #tpu.memory_space<hbm>>)
      tpu.yield
    }) : () -> ()
    %scan3A_13 = arith.constant 0 : i32
    %scan3A_14 = arith.constant 640 : i32
    %scan3A_15 = arith.addi %scan3A_13, %scan3A_14 : i32
    %scan3A_16 = arith.constant 8 : i32
    scf.for %scan3A_32 = %scan3A_13 to %scan3A_15 step %scan3A_16  : i32 {
      %mul3A_33 = arith.constant 16 : i32
      %mul3A_34 = arith.muli %scan3A_32, %mul3A_33 : i32
      %swap3A_35 = arith.index_cast %mul3A_34 : i32 to index
      %swap3A_36 = tpu.vector_load %arg9[%swap3A_35] {strides = array<i32>} : memref<10240xi32, #tpu.memory_space<vmem>>, vector<16xi32>,
      tpu.vector_store %arg9[%swap3A_35], %broadcast_in_dim3A_1 {strides = array<i32>} : memref<10240xi32, #tpu.memory_space<vmem>>, vector<16xi32>,
      %scan3A_37 = arith.constant 1 : i32
      %scan3A_38 = arith.addi %scan3A_32, %scan3A_37 : i32
      %mul3A_39 = arith.constant 16 : i32
      %mul3A_40 = arith.muli %scan3A_38, %mul3A_39 : i32
      %swap3A_41 = arith.index_cast %mul3A_40 : i32 to index
      %swap3A_42 = tpu.vector_load %arg9[%swap3A_41] {strides = array<i32>} : memref<10240xi32, #tpu.memory_space<vmem>>, vector<16xi32>,
      tpu.vector_store %arg9[%swap3A_41], %broadcast_in_dim3A_1 {strides = array<i32>} : memref<10240xi32, #tpu.memory_space<vmem>>, vector<16xi32>,
      %scan3A_43 = arith.constant 2 : i32
      %scan3A_44 = arith.addi %scan3A_32, %scan3A_43 : i32
      %mul3A_45 = arith.constant 16 : i32
      %mul3A_46 = arith.muli %scan3A_44, %mul3A_45 : i32
      %swap3A_47 = arith.index_cast %mul3A_46 : i32 to index
      %swap3A_48 = tpu.vector_load %arg9[%swap3A_47] {strides = array<i32>} : memref<10240xi32, #tpu.memory_space<vmem>>, vector<16xi32>,
      tpu.vector_store %arg9[%swap3A_47], %broadcast_in_dim3A_1 {strides = array<i32>} : memref<10240xi32, #tpu.memory_space<vmem>>, vector<16xi32>,
      %scan3A_49 = arith.constant 3 : i32
      %scan3A_50 = arith.addi %scan3A_32, %scan3A_49 : i32
      %mul3A_51 = arith.constant 16 : i32
      %mul3A_52 = arith.muli %scan3A_50, %mul3A_51 : i32
      %swap3A_53 = arith.index_cast %mul3A_52 : i32 to index
      %swap3A_54 = tpu.vector_load %arg9[%swap3A_53] {strides = array<i32>} : memref<10240xi32, #tpu.memory_space<vmem>>, vector<16xi32>,
      tpu.vector_store %arg9[%swap3A_53], %broadcast_in_dim3A_1 {strides = array<i32>} : memref<10240xi32, #tpu.memory_space<vmem>>, vector<16xi32>,
      %scan3A_55 = arith.constant 4 : i32
      %scan3A_56 = arith.addi %scan3A_32, %scan3A_55 : i32
      %mul3A_57 = arith.constant 16 : i32
      %mul3A_58 = arith.muli %scan3A_56, %mul3A_57 : i32
      %swap3A_59 = arith.index_cast %mul3A_58 : i32 to index
      %swap3A_60 = tpu.vector_load %arg9[%swap3A_59] {strides = array<i32>} : memref<10240xi32, #tpu.memory_space<vmem>>, vector<16xi32>,
      tpu.vector_store %arg9[%swap3A_59], %broadcast_in_dim3A_1 {strides = array<i32>} : memref<10240xi32, #tpu.memory_space<vmem>>, vector<16xi32>,
      %scan3A_61 = arith.constant 5 : i32
      %scan3A_62 = arith.addi %scan3A_32, %scan3A_61 : i32
      %mul3A_63 = arith.constant 16 : i32
      %mul3A_64 = arith.muli %scan3A_62, %mul3A_63 : i32
      %swap3A_65 = arith.index_cast %mul3A_64 : i32 to index
      %swap3A_66 = tpu.vector_load %arg9[%swap3A_65] {strides = array<i32>} : memref<10240xi32, #tpu.memory_space<vmem>>, vector<16xi32>,
      tpu.vector_store %arg9[%swap3A_65], %broadcast_in_dim3A_1 {strides = array<i32>} : memref<10240xi32, #tpu.memory_space<vmem>>, vector<16xi32>,
      %scan3A_67 = arith.constant 6 : i32
      %scan3A_68 = arith.addi %scan3A_32, %scan3A_67 : i32
      %mul3A_69 = arith.constant 16 : i32
      %mul3A_70 = arith.muli %scan3A_68, %mul3A_69 : i32
      %swap3A_71 = arith.index_cast %mul3A_70 : i32 to index
      %swap3A_72 = tpu.vector_load %arg9[%swap3A_71] {strides = array<i32>} : memref<10240xi32, #tpu.memory_space<vmem>>, vector<16xi32>,
      tpu.vector_store %arg9[%swap3A_71], %broadcast_in_dim3A_1 {strides = array<i32>} : memref<10240xi32, #tpu.memory_space<vmem>>, vector<16xi32>,
      %scan3A_73 = arith.constant 7 : i32
      %scan3A_74 = arith.addi %scan3A_32, %scan3A_73 : i32
      %mul3A_75 = arith.constant 16 : i32
      %mul3A_76 = arith.muli %scan3A_74, %mul3A_75 : i32
      %swap3A_77 = arith.index_cast %mul3A_76 : i32 to index
      %swap3A_78 = tpu.vector_load %arg9[%swap3A_77] {strides = array<i32>} : memref<10240xi32, #tpu.memory_space<vmem>>, vector<16xi32>,
      tpu.vector_store %arg9[%swap3A_77], %broadcast_in_dim3A_1 {strides = array<i32>} : memref<10240xi32, #tpu.memory_space<vmem>>, vector<16xi32>,
    }
    %scan3A_17 = arith.constant 640 : i32
    %mul3A_18 = arith.constant 128 : i32
    %mul3A_19 = arith.muli %add3A, %mul3A_18 : i32
    "tpu.region"() ({
      %run_scoped3A = tpu.sem_alloc : memref<!tpu.dma_semaphore, #tpu.memory_space<semaphore_mem>>
      %dma_start3A = tpu.memref_slice %arg3[%mul3A_19] : memref<4096xi32, #tpu.memory_space<hbm>> -> memref<128xi32, #tpu.memory_space<hbm>>
      %dma_start3A_32 = tpu.memref_slice %arg3[%mul3A_19] : memref<4096xi32, #tpu.memory_space<hbm>> -> memref<128xi32, #tpu.memory_space<hbm>>
      tpu.enqueue_dma source(%dma_start3A_32 : memref<128xi32, #tpu.memory_space<hbm>>) target(%arg8 : memref<128xi32, #tpu.memory_space<vmem>>) target_semaphore(%run_scoped3A : memref<!tpu.dma_semaphore, #tpu.memory_space<semaphore_mem>>)
      %dma_wait3A = tpu.memref_slice %arg3[%mul3A_19] : memref<4096xi32, #tpu.memory_space<hbm>> -> memref<128xi32, #tpu.memory_space<hbm>>
      %dma_wait3A_33 = tpu.memref_slice %arg3[%mul3A_19] : memref<4096xi32, #tpu.memory_space<hbm>> -> memref<128xi32, #tpu.memory_space<hbm>>
      tpu.wait_dma2 semaphore(%run_scoped3A : memref<!tpu.dma_semaphore, #tpu.memory_space<semaphore_mem>>) src(%dma_wait3A_33 : memref<128xi32, #tpu.memory_space<hbm>>) dst(%arg8 : memref<128xi32, #tpu.memory_space<vmem>>)
      tpu.yield
    }) : () -> ()
    %broadcast_in_dim3A_20 = arith.constant 1 : i32
    %broadcast_in_dim3A_21 = vector.broadcast %broadcast_in_dim3A_20 : i32 to vector<16xi32>
    %scan3A_22 = arith.constant 0 : i32
    %scan3A_23 = arith.constant 8 : i32
    %scan3A_24 = arith.addi %scan3A_22, %scan3A_23 : i32
    %scan3A_25 = arith.constant 4 : i32
    scf.for %scan3A_32 = %scan3A_22 to %scan3A_24 step %scan3A_25  : i32 {
      %mul3A_33 = arith.constant 16 : i32
      %mul3A_34 = arith.muli %scan3A_32, %mul3A_33 : i32
      %get3A = arith.index_cast %mul3A_34 : i32 to index
      %get3A_35 = tpu.vector_load %arg8[%get3A] {strides = array<i32>} : memref<128xi32, #tpu.memory_space<vmem>>, vector<16xi32>,
      %mul3A_36 = arith.constant 640 : i32
      %mul3A_37 = vector.broadcast %mul3A_36 : i32 to vector<16xi32>
      %mul3A_38 = arith.muli %iota3A, %mul3A_37 : vector<16xi32>
      %add3A_39 = arith.addi %mul3A_38, %get3A_35 : vector<16xi32>
      tpu.vector_store_idx %arg9[%add3A_39], %broadcast_in_dim3A_21 {add = true} : memref<10240xi32, #tpu.memory_space<vmem>>[vector<16xi32>], vector<16xi32>,
      %scan3A_40 = arith.constant 1 : i32
      %scan3A_41 = arith.addi %scan3A_32, %scan3A_40 : i32
      %mul3A_42 = arith.constant 16 : i32
      %mul3A_43 = arith.muli %scan3A_41, %mul3A_42 : i32
      %get3A_44 = arith.index_cast %mul3A_43 : i32 to index
      %get3A_45 = tpu.vector_load %arg8[%get3A_44] {strides = array<i32>} : memref<128xi32, #tpu.memory_space<vmem>>, vector<16xi32>,
      %mul3A_46 = arith.constant 640 : i32
      %mul3A_47 = vector.broadcast %mul3A_46 : i32 to vector<16xi32>
      %mul3A_48 = arith.muli %iota3A, %mul3A_47 : vector<16xi32>
      %add3A_49 = arith.addi %mul3A_48, %get3A_45 : vector<16xi32>
      tpu.vector_store_idx %arg9[%add3A_49], %broadcast_in_dim3A_21 {add = true} : memref<10240xi32, #tpu.memory_space<vmem>>[vector<16xi32>], vector<16xi32>,
      %scan3A_50 = arith.constant 2 : i32
      %scan3A_51 = arith.addi %scan3A_32, %scan3A_50 : i32
      %mul3A_52 = arith.constant 16 : i32
      %mul3A_53 = arith.muli %scan3A_51, %mul3A_52 : i32
      %get3A_54 = arith.index_cast %mul3A_53 : i32 to index
      %get3A_55 = tpu.vector_load %arg8[%get3A_54] {strides = array<i32>} : memref<128xi32, #tpu.memory_space<vmem>>, vector<16xi32>,
      %mul3A_56 = arith.constant 640 : i32
      %mul3A_57 = vector.broadcast %mul3A_56 : i32 to vector<16xi32>
      %mul3A_58 = arith.muli %iota3A, %mul3A_57 : vector<16xi32>
      %add3A_59 = arith.addi %mul3A_58, %get3A_55 : vector<16xi32>
      tpu.vector_store_idx %arg9[%add3A_59], %broadcast_in_dim3A_21 {add = true} : memref<10240xi32, #tpu.memory_space<vmem>>[vector<16xi32>], vector<16xi32>,
      %scan3A_60 = arith.constant 3 : i32
      %scan3A_61 = arith.addi %scan3A_32, %scan3A_60 : i32
      %mul3A_62 = arith.constant 16 : i32
      %mul3A_63 = arith.muli %scan3A_61, %mul3A_62 : i32
      %get3A_64 = arith.index_cast %mul3A_63 : i32 to index
      %get3A_65 = tpu.vector_load %arg8[%get3A_64] {strides = array<i32>} : memref<128xi32, #tpu.memory_space<vmem>>, vector<16xi32>,
      %mul3A_66 = arith.constant 640 : i32
      %mul3A_67 = vector.broadcast %mul3A_66 : i32 to vector<16xi32>
      %mul3A_68 = arith.muli %iota3A, %mul3A_67 : vector<16xi32>
      %add3A_69 = arith.addi %mul3A_68, %get3A_65 : vector<16xi32>
      tpu.vector_store_idx %arg9[%add3A_69], %broadcast_in_dim3A_21 {add = true} : memref<10240xi32, #tpu.memory_space<vmem>>[vector<16xi32>], vector<16xi32>,
    }
    %scan3A_26 = arith.constant 8 : i32
    %scan3A_27 = arith.constant 0 : i32
    %scan3A_28 = arith.constant 40 : i32
    %scan3A_29 = arith.addi %scan3A_27, %scan3A_28 : i32
    %scan3A_30 = arith.constant 1 : i32
    scf.for %scan3A_32 = %scan3A_27 to %scan3A_29 step %scan3A_30  : i32 {
      %mul3A_33 = arith.constant 16 : i32
      %mul3A_34 = arith.muli %scan3A_32, %mul3A_33 : i32
      %get3A = arith.index_cast %mul3A_34 : i32 to index
      %get3A_35 = tpu.vector_load %arg9[%get3A] {strides = array<i32>} : memref<10240xi32, #tpu.memory_space<vmem>>, vector<16xi32>,
      %scan3A_36 = arith.constant 1 : i32
      %scan3A_37 = arith.constant 12 : i32
      %scan3A_38 = arith.addi %scan3A_36, %scan3A_37 : i32
      %scan3A_39 = arith.constant 4 : i32
      %scan3A_40 = scf.for %scan3A_76 = %scan3A_36 to %scan3A_38 step %scan3A_39 iter_args(%scan3A_77 = %get3A_35) -> (vector<16xi32>)  : i32 {
        %mul3A_78 = arith.constant 640 : i32
        %mul3A_79 = arith.muli %scan3A_76, %mul3A_78 : i32
        %mul3A_80 = arith.constant 16 : i32
        %mul3A_81 = arith.muli %scan3A_32, %mul3A_80 : i32
        %add3A_82 = arith.addi %mul3A_79, %mul3A_81 : i32
        %get3A_83 = arith.index_cast %add3A_82 : i32 to index
        %get3A_84 = tpu.vector_load %arg9[%get3A_83] {strides = array<i32>} : memref<10240xi32, #tpu.memory_space<vmem>>, vector<16xi32>,
        %add3A_85 = arith.addi %scan3A_77, %get3A_84 : vector<16xi32>
        %scan3A_86 = arith.constant 1 : i32
        %scan3A_87 = arith.addi %scan3A_76, %scan3A_86 : i32
        %mul3A_88 = arith.constant 640 : i32
        %mul3A_89 = arith.muli %scan3A_87, %mul3A_88 : i32
        %mul3A_90 = arith.constant 16 : i32
        %mul3A_91 = arith.muli %scan3A_32, %mul3A_90 : i32
        %add3A_92 = arith.addi %mul3A_89, %mul3A_91 : i32
        %get3A_93 = arith.index_cast %add3A_92 : i32 to index
        %get3A_94 = tpu.vector_load %arg9[%get3A_93] {strides = array<i32>} : memref<10240xi32, #tpu.memory_space<vmem>>, vector<16xi32>,
        %add3A_95 = arith.addi %add3A_85, %get3A_94 : vector<16xi32>
        %scan3A_96 = arith.constant 2 : i32
        %scan3A_97 = arith.addi %scan3A_76, %scan3A_96 : i32
        %mul3A_98 = arith.constant 640 : i32
        %mul3A_99 = arith.muli %scan3A_97, %mul3A_98 : i32
        %mul3A_100 = arith.constant 16 : i32
        %mul3A_101 = arith.muli %scan3A_32, %mul3A_100 : i32
        %add3A_102 = arith.addi %mul3A_99, %mul3A_101 : i32
        %get3A_103 = arith.index_cast %add3A_102 : i32 to index
        %get3A_104 = tpu.vector_load %arg9[%get3A_103] {strides = array<i32>} : memref<10240xi32, #tpu.memory_space<vmem>>, vector<16xi32>,
        %add3A_105 = arith.addi %add3A_95, %get3A_104 : vector<16xi32>
        %scan3A_106 = arith.constant 3 : i32
        %scan3A_107 = arith.addi %scan3A_76, %scan3A_106 : i32
        %mul3A_108 = arith.constant 640 : i32
        %mul3A_109 = arith.muli %scan3A_107, %mul3A_108 : i32
        %mul3A_110 = arith.constant 16 : i32
        %mul3A_111 = arith.muli %scan3A_32, %mul3A_110 : i32
        %add3A_112 = arith.addi %mul3A_109, %mul3A_111 : i32
        %get3A_113 = arith.index_cast %add3A_112 : i32 to index
        %get3A_114 = tpu.vector_load %arg9[%get3A_113] {strides = array<i32>} : memref<10240xi32, #tpu.memory_space<vmem>>, vector<16xi32>,
        %add3A_115 = arith.addi %add3A_105, %get3A_114 : vector<16xi32>
        scf.yield %add3A_115 : vector<16xi32>
      }
      %scan3A_41 = arith.constant 12 : i32
      %scan3A_42 = arith.addi %scan3A_36, %scan3A_41 : i32
      %mul3A_43 = arith.constant 640 : i32
      %mul3A_44 = arith.muli %scan3A_42, %mul3A_43 : i32
      %mul3A_45 = arith.constant 16 : i32
      %mul3A_46 = arith.muli %scan3A_32, %mul3A_45 : i32
      %add3A_47 = arith.addi %mul3A_44, %mul3A_46 : i32
      %get3A_48 = arith.index_cast %add3A_47 : i32 to index
      %get3A_49 = tpu.vector_load %arg9[%get3A_48] {strides = array<i32>} : memref<10240xi32, #tpu.memory_space<vmem>>, vector<16xi32>,
      %add3A_50 = arith.addi %scan3A_40, %get3A_49 : vector<16xi32>
      %scan3A_51 = arith.constant 13 : i32
      %scan3A_52 = arith.addi %scan3A_36, %scan3A_51 : i32
      %mul3A_53 = arith.constant 640 : i32
      %mul3A_54 = arith.muli %scan3A_52, %mul3A_53 : i32
      %mul3A_55 = arith.constant 16 : i32
      %mul3A_56 = arith.muli %scan3A_32, %mul3A_55 : i32
      %add3A_57 = arith.addi %mul3A_54, %mul3A_56 : i32
      %get3A_58 = arith.index_cast %add3A_57 : i32 to index
      %get3A_59 = tpu.vector_load %arg9[%get3A_58] {strides = array<i32>} : memref<10240xi32, #tpu.memory_space<vmem>>, vector<16xi32>,
      %add3A_60 = arith.addi %add3A_50, %get3A_59 : vector<16xi32>
      %scan3A_61 = arith.constant 14 : i32
      %scan3A_62 = arith.addi %scan3A_36, %scan3A_61 : i32
      %mul3A_63 = arith.constant 640 : i32
      %mul3A_64 = arith.muli %scan3A_62, %mul3A_63 : i32
      %mul3A_65 = arith.constant 16 : i32
      %mul3A_66 = arith.muli %scan3A_32, %mul3A_65 : i32
      %add3A_67 = arith.addi %mul3A_64, %mul3A_66 : i32
      %get3A_68 = arith.index_cast %add3A_67 : i32 to index
      %get3A_69 = tpu.vector_load %arg9[%get3A_68] {strides = array<i32>} : memref<10240xi32, #tpu.memory_space<vmem>>, vector<16xi32>,
      %add3A_70 = arith.addi %add3A_60, %get3A_69 : vector<16xi32>
      %scan3A_71 = arith.constant 15 : i32
      %mul3A_72 = arith.constant 16 : i32
      %mul3A_73 = arith.muli %scan3A_32, %mul3A_72 : i32
      %swap3A_74 = arith.index_cast %mul3A_73 : i32 to index
      %swap3A_75 = tpu.vector_load %arg10[%swap3A_74] {strides = array<i32>} : memref<640xi32, #tpu.memory_space<vmem>>, vector<16xi32>,
      tpu.vector_store %arg10[%swap3A_74], %add3A_70 {strides = array<i32>} : memref<640xi32, #tpu.memory_space<vmem>>, vector<16xi32>,
    }
    %scan3A_31 = arith.constant 40 : i32
    "tpu.region"() ({
      %run_scoped3A = tpu.sem_alloc : memref<!tpu.dma_semaphore, #tpu.memory_space<semaphore_mem>>
      %dma_start3A = arith.constant 0 : i32
      %dma_start3A_32 = tpu.memref_slice %arg5[%add3A, %dma_start3A] : memref<32x640xi32, #tpu.memory_space<hbm>> -> memref<1x640xi32, #tpu.memory_space<hbm>>
      %dma_start3A_33 = tpu.memref_squeeze %dma_start3A_32 : memref<1x640xi32, #tpu.memory_space<hbm>> -> memref<640xi32, #tpu.memory_space<hbm>>
      %dma_start3A_34 = arith.constant 0 : i32
      %dma_start3A_35 = tpu.memref_slice %arg5[%add3A, %dma_start3A_34] : memref<32x640xi32, #tpu.memory_space<hbm>> -> memref<1x640xi32, #tpu.memory_space<hbm>>
      %dma_start3A_36 = tpu.memref_squeeze %dma_start3A_35 : memref<1x640xi32, #tpu.memory_space<hbm>> -> memref<640xi32, #tpu.memory_space<hbm>>
      tpu.enqueue_dma source(%arg10 : memref<640xi32, #tpu.memory_space<vmem>>) target(%dma_start3A_36 : memref<640xi32, #tpu.memory_space<hbm>>) target_semaphore(%run_scoped3A : memref<!tpu.dma_semaphore, #tpu.memory_space<semaphore_mem>>)
      %dma_wait3A = arith.constant 0 : i32
      %dma_wait3A_37 = tpu.memref_slice %arg5[%add3A, %dma_wait3A] : memref<32x640xi32, #tpu.memory_space<hbm>> -> memref<1x640xi32, #tpu.memory_space<hbm>>
      %dma_wait3A_38 = tpu.memref_squeeze %dma_wait3A_37 : memref<1x640xi32, #tpu.memory_space<hbm>> -> memref<640xi32, #tpu.memory_space<hbm>>
      %dma_wait3A_39 = arith.constant 0 : i32
      %dma_wait3A_40 = tpu.memref_slice %arg5[%add3A, %dma_wait3A_39] : memref<32x640xi32, #tpu.memory_space<hbm>> -> memref<1x640xi32, #tpu.memory_space<hbm>>
      %dma_wait3A_41 = tpu.memref_squeeze %dma_wait3A_40 : memref<1x640xi32, #tpu.memory_space<hbm>> -> memref<640xi32, #tpu.memory_space<hbm>>
      tpu.wait_dma2 semaphore(%run_scoped3A : memref<!tpu.dma_semaphore, #tpu.memory_space<semaphore_mem>>) src(%arg10 : memref<640xi32, #tpu.memory_space<vmem>>) dst(%dma_wait3A_41 : memref<640xi32, #tpu.memory_space<hbm>>)
      tpu.yield
    }) : () -> ()
    return
  }
}

module attributes {stable_mosaic.version = 14 : i64} {
  func.func @_mlp_body(%arg0: memref<32x640xi32, #tpu.memory_space<vmem>>, %arg1: memref<1x512xi32, #tpu.memory_space<vmem>>, %arg2: memref<1xi32, #tpu.memory_space<smem>>, %arg3: memref<513x32xf32, #tpu.memory_space<vmem>>, %arg4: memref<513x32xf32, #tpu.memory_space<vmem>>, %arg5: memref<32x512xf32, #tpu.memory_space<vmem>>, %arg6: memref<1x32xf32, #tpu.memory_space<vmem>>, %arg7: memref<32x32xf32, #tpu.memory_space<vmem>>, %arg8: memref<1x32xf32, #tpu.memory_space<vmem>>, %arg9: memref<64x64xf32, #tpu.memory_space<vmem>>, %arg10: memref<1x64xf32, #tpu.memory_space<vmem>>, %arg11: memref<1x64xf32, #tpu.memory_space<vmem>>) attributes {dimension_semantics = [], scalar_prefetch = 0 : i64, scratch_operands = 0 : i64, tpu.core_type = #tpu.core_type<tc>} {
    %get3A = arith.constant 0 : index
    %get3A_0 = arith.constant 0 : index
    %get3A_1 = vector.load %arg0[%get3A, %get3A_0] : memref<32x640xi32, #tpu.memory_space<vmem>>, vector<32x640xi32>
    %convert_element_type3A = arith.sitofp %get3A_1 : vector<32x640xi32> to vector<32x640xf32>
    %reduce_sum3A = arith.constant dense<0.000000e+00> : vector<640xf32>
    %reduce_sum3A_2 = vector.multi_reduction <add>, %convert_element_type3A, %reduce_sum3A [0] : vector<32x640xf32> to vector<640xf32>
    %broadcast_in_dim3A = vector.shape_cast %reduce_sum3A_2 : vector<640xf32> to vector<1x640xf32>
    %get3A_3 = arith.constant 0 : index
    %get3A_4 = memref.load %arg2[%get3A_3] : memref<1xi32, #tpu.memory_space<smem>>
    %iota3A = tpu.iota {dimensions = array<i32: 1>} : vector<1x513xi32>
    %eq3A = vector.broadcast %get3A_4 : i32 to vector<1x513xi32>
    %eq3A_5 = arith.cmpi eq, %iota3A, %eq3A : vector<1x513xi32>
    %convert_element_type3A_6 = arith.extui %eq3A_5 : vector<1x513xi1> to vector<1x513xi32>
    %convert_element_type3A_7 = arith.sitofp %convert_element_type3A_6 : vector<1x513xi32> to vector<1x513xf32>
    %get3A_8 = arith.constant 0 : index
    %get3A_9 = arith.constant 0 : index
    %get3A_10 = vector.load %arg3[%get3A_8, %get3A_9] : memref<513x32xf32, #tpu.memory_space<vmem>>, vector<513x32xf32>
    %dot_general3A = arith.constant dense<0.000000e+00> : vector<1x32xf32>
    %dot_general3A_11 = tpu.matmul %convert_element_type3A_7, %get3A_10, %dot_general3A {dimension_numbers = #tpu.dot_dimension_numbers<[1], [0], [0], [1], [0, 0, 1, 1], [], []>, transpose_lhs_hint = false} : vector<1x513xf32>, vector<513x32xf32>, vector<1x32xf32> -> vector<1x32xf32>
    %slice3A = vector.extract_strided_slice %broadcast_in_dim3A {offsets = [0, 0], sizes = [1, 513], strides = [1, 1]} : vector<1x640xf32> to vector<1x513xf32>
    %get3A_12 = arith.constant 0 : index
    %get3A_13 = arith.constant 0 : index
    %get3A_14 = vector.load %arg4[%get3A_12, %get3A_13] : memref<513x32xf32, #tpu.memory_space<vmem>>, vector<513x32xf32>
    %dot_general3A_15 = arith.constant dense<0.000000e+00> : vector<1x32xf32>
    %dot_general3A_16 = tpu.matmul %slice3A, %get3A_14, %dot_general3A_15 {dimension_numbers = #tpu.dot_dimension_numbers<[1], [0], [0], [1], [0, 0, 1, 1], [], []>, transpose_lhs_hint = false} : vector<1x513xf32>, vector<513x32xf32>, vector<1x32xf32> -> vector<1x32xf32>
    %get3A_17 = arith.constant 0 : index
    %get3A_18 = arith.constant 0 : index
    %get3A_19 = vector.load %arg1[%get3A_17, %get3A_18] : memref<1x512xi32, #tpu.memory_space<vmem>>, vector<1x512xi32>
    %convert_element_type3A_20 = arith.sitofp %get3A_19 : vector<1x512xi32> to vector<1x512xf32>
    %get3A_21 = arith.constant 0 : index
    %get3A_22 = arith.constant 0 : index
    %get3A_23 = vector.load %arg5[%get3A_21, %get3A_22] : memref<32x512xf32, #tpu.memory_space<vmem>>, vector<32x512xf32>
    %dot_general3A_24 = arith.constant dense<0.000000e+00> : vector<1x32xf32>
    %dot_general3A_25 = tpu.matmul %convert_element_type3A_20, %get3A_23, %dot_general3A_24 {dimension_numbers = #tpu.dot_dimension_numbers<[1], [1], [0], [0], [0, 0, 1, 0], [], []>, transpose_lhs_hint = false} : vector<1x512xf32>, vector<32x512xf32>, vector<1x32xf32> -> vector<1x32xf32>
    %get3A_26 = arith.constant 0 : index
    %get3A_27 = arith.constant 0 : index
    %get3A_28 = vector.load %arg6[%get3A_26, %get3A_27] : memref<1x32xf32, #tpu.memory_space<vmem>>, vector<1x32xf32>
    %add3A = arith.addf %dot_general3A_25, %get3A_28 : vector<1x32xf32>
    %max3A = arith.constant 0.000000e+00 : f32
    %max3A_29 = vector.broadcast %max3A : f32 to vector<1x32xf32>
    %max3A_30 = arith.maximumf %add3A, %max3A_29 : vector<1x32xf32>
    %get3A_31 = arith.constant 0 : index
    %get3A_32 = arith.constant 0 : index
    %get3A_33 = vector.load %arg7[%get3A_31, %get3A_32] : memref<32x32xf32, #tpu.memory_space<vmem>>, vector<32x32xf32>
    %dot_general3A_34 = arith.constant dense<0.000000e+00> : vector<1x32xf32>
    %dot_general3A_35 = tpu.matmul %max3A_30, %get3A_33, %dot_general3A_34 {dimension_numbers = #tpu.dot_dimension_numbers<[1], [1], [0], [0], [0, 0, 1, 0], [], []>, transpose_lhs_hint = false} : vector<1x32xf32>, vector<32x32xf32>, vector<1x32xf32> -> vector<1x32xf32>
    %get3A_36 = arith.constant 0 : index
    %get3A_37 = arith.constant 0 : index
    %get3A_38 = vector.load %arg8[%get3A_36, %get3A_37] : memref<1x32xf32, #tpu.memory_space<vmem>>, vector<1x32xf32>
    %add3A_39 = arith.addf %dot_general3A_35, %get3A_38 : vector<1x32xf32>
    %add3A_40 = arith.addf %dot_general3A_11, %dot_general3A_16 : vector<1x32xf32>
    %concatenate3A = tpu.concatenate %add3A_40, %add3A_39 in 1 : vector<1x32xf32>, vector<1x32xf32> -> vector<1x64xf32>
    %get3A_41 = arith.constant 0 : index
    %get3A_42 = arith.constant 0 : index
    %get3A_43 = vector.load %arg9[%get3A_41, %get3A_42] : memref<64x64xf32, #tpu.memory_space<vmem>>, vector<64x64xf32>
    %dot_general3A_44 = arith.constant dense<0.000000e+00> : vector<1x64xf32>
    %dot_general3A_45 = tpu.matmul %concatenate3A, %get3A_43, %dot_general3A_44 {dimension_numbers = #tpu.dot_dimension_numbers<[1], [1], [0], [0], [0, 0, 1, 0], [], []>, transpose_lhs_hint = false} : vector<1x64xf32>, vector<64x64xf32>, vector<1x64xf32> -> vector<1x64xf32>
    %get3A_46 = arith.constant 0 : index
    %get3A_47 = arith.constant 0 : index
    %get3A_48 = vector.load %arg10[%get3A_46, %get3A_47] : memref<1x64xf32, #tpu.memory_space<vmem>>, vector<1x64xf32>
    %add3A_49 = arith.addf %dot_general3A_45, %get3A_48 : vector<1x64xf32>
    %swap3A = arith.constant 0 : index
    %swap3A_50 = arith.constant 0 : index
    %swap3A_51 = vector.load %arg11[%swap3A, %swap3A_50] : memref<1x64xf32, #tpu.memory_space<vmem>>, vector<1x64xf32>
    tpu.vector_store %arg11[%swap3A, %swap3A_50], %add3A_49 {strides = array<i32>} : memref<1x64xf32, #tpu.memory_space<vmem>>, vector<1x64xf32>,
    return
  }
}

</mosaic_0001>

<sc_bundles>
// kernel: branch_0_fun.3.cloned.1.call-start
scs
__scs_entry_jumppad:
0x0: {  	(pc) =	sbr.rel $0x88, $3  }
0x1: {  	(tag) =	ssettag $0x0;
	lr =	simm.s32 $0x1  }
0x2: {  	[smem:$0x3F94] =	sst lr;
	_ =	strace $0xD0000000  }
0x3: {  	_ = 	snop  }
0x4: {  	_ = 	snop  }
0x5: {  	_ = 	snop  }
0x6: {  	_ = 	snop  }
0x7: {  	_ = 	snop  }
__scs_overlays_trampoline_lowered:
0x8: {  	[smem:$0x3FA3] =	sst s0  }
0x9: {  	[smem:$0x3FA4] =	sst s1  }
0xa: {  	[smem:$0x3FA5] =	sst s2  }
0xb: {  	[smem:$0x3FA6] =	sst s3  }
0xc: {  	[smem:$0x3FA7] =	sst s4  }
0xd: {  	[smem:$0x3FA8] =	sst s5  }
0xe: {  	[smem:$0x3FA9] =	sst s6  }
0xf: {  	[smem:$0x3FAA] =	sst s7  }
0x10: {  	[smem:$0x3FAB] =	sst s8  }
0x11: {  	[smem:$0x3FAC] =	sst s9;
	s0 =	simm.s32 @!p0 $0x0  }
0x12: {  	s1 =	sld [smem:$0x3F92];
	s0 =	simm.s32 @p0 $0x1  }
0x13: {  	[smem:$0x3FAD] =	sst s0;
	s0 =	simm.s32 @!p1 $0x0  }
0x14: {  	s2 =	sld [smem:$0x3F91];
	s0 =	simm.s32 @p1 $0x1  }
0x15: {  	[smem:$0x3FAE] =	sst s0;
	s0 =	simm.s32 @!p2 $0x0  }
0x16: {  	s3 =	sld [smem:$0x3FDB];
	s0 =	simm.s32 @p2 $0x1  }
0x17: {  	s4 =	simm.s32 $0x1BF5;
	[smem:$0x3FB0] =	sst s0  }
0x18: {  	s0 =	sld [smem:$0x3F93];
	_ =	swait.ge [sflag:s4], $0x0  }
0x19: {  	s7 =	sld [smem:$0x3F94]  }
0x1a: {  	s8 =	sadd.s32 $0xFFFFE003, lr  }
0x1b: {  	s9 =	sadd.s32 $0xFFFFFEF7, lr;
	s5 =	simm.s32 $0xFFFFFFFF;
	p2 =	slt.u32 s8, $0xFFFFF086  }
0x1c: {  	p1 =	slt.u32 s9, $0xF7A;
	s5 =	simm.s32 @!p2 $0x0  }
0x1d: {  	s5 =	simm.s32 @p1 $0x1;
	p0 =	seq.s32 s7, s2  }
0x1e: {  	s7 =	smul.u32 @!p0 $0xF7A, s2;
	p2 =	seq.s32 @!p0 s5, $0x0  }
0x1f: {  	s9 =	smul.u32 $0xF7A, s1;
	s8 =	simm.s32 @!p0 $0x1BF5;
	p2 =	por !p2, p0  }
0x20: {  	[sflag:s8] =	ssyncset.s32 @!p0 $0xFFFFF086;
	s6 =	sadd.s32 @!p0 s3, s7;
	s7 =	simm.s32 @!p0 $0x108  }
0x21: {  	s3 =	sadd.s32 s3, s9;
	s6 =	sadd.s32 @!p0 $0x88, s6;
	s7 =	simm.s32 @p2 $0x1082  }
0x22: {  	[simem:s7], [sflag:s8] =	dma.local @!p0 [hbm:s6], $0xF7A  }
0x23: {  	s9 =	sor.u32 $0xD0000000, s2;
	s6 =	simm.s32 $0x108;
	_ =	swait.ge @!p0 [sflag:s8], $0x0  }
0x24: {  	s3 =	sadd.s32 $0x88, s3;
	s6 =	simm.s32 @!p1 $0x1082;
	[sflag:s4] =	ssyncset.s32 $0xFFFFF086  }
0x25: {  	[simem:s6], [sflag:s4] =	dma.local [hbm:s3], $0xF7A  }
0x26: {  	[smem:$0x3F94] =	sst s1;
	(tag) =	ssettag s2;
	_ =	strace s9  }
0x27: {  	s1 =	sld [smem:$0x3FA4]  }
0x28: {  	s2 =	sld [smem:$0x3FA5]  }
0x29: {  	s4 =	sld [smem:$0x3FA7]  }
0x2a: {  	p0 =	seq.s32 s5, $0x0;
	s5 =	sld [smem:$0x3FA8]  }
0x2b: {  	s6 =	sld [smem:$0x3FA9]  }
0x2c: {  	s7 =	sld [smem:$0x3FAA]  }
0x2d: {  	s3 =	simm.s32 $0x108;
	s8 =	sld [smem:$0x3FAB]  }
0x2e: {  	s3 =	simm.s32 @!p0 $0x1082;
	s9 =	sld [smem:$0x3FAC]  }
0x2f: {  	lr =	sadd.s32 s0, s3;
	s0 =	sld [smem:$0x3FA3]  }
0x30: {  	s3 =	sld [smem:$0x3FA6]  }
0x31: {  	[smem:$0x3FAF] =	sst s10  }
0x32: {  	s10 =	sld [smem:$0x3FAD];
	_ =	sdelay $0x3  }
0x33: {  	p0 =	seq.s32 s10, $0x1;
	s10 =	sld [smem:$0x3FAF];
	_ =	sdelay $0x3  }
0x34: {  	[smem:$0x3FAF] =	sst s10  }
0x35: {  	s10 =	sld [smem:$0x3FAE];
	_ =	sdelay $0x3  }
0x36: {  	p1 =	seq.s32 s10, $0x1;
	s10 =	sld [smem:$0x3FAF];
	_ =	sdelay $0x3  }
0x37: {  	[smem:$0x3FAF] =	sst s10  }
0x38: {  	s10 =	sld [smem:$0x3FB0]  }
0x39: {  	_ = 	snop;
	(pc) =	sbr.ind lr, $3  }
0x3a: {  	_ = 	snop  }
0x3b: {  	_ = 	snop  }
0x3c: {  	p2 =	seq.s32 s10, $0x1;
	s10 =	sld [smem:$0x3FAF]  }
0x3d: {  	_ =	shalt  }
0x3e: {  	_ =	shalt  }
0x3f: {  	_ =	shalt  }
0x40: {  	_ =	shalt  }
0x41: {  	_ =	shalt  }
0x42: {  	_ =	shalt  }
0x43: {  	_ =	shalt  }
0x44: {  	_ =	shalt  }
0x45: {  	_ =	shalt  }
0x46: {  	_ =	shalt  }
0x47: {  	_ =	shalt  }
0x48: {  	_ =	shalt  }
0x49: {  	_ =	shalt  }
0x4a: {  	_ =	shalt  }
0x4b: {  	_ =	shalt  }
0x4c: {  	_ =	shalt  }
0x4d: {  	_ =	shalt  }
0x4e: {  	_ =	shalt  }
0x4f: {  	_ =	shalt  }
0x50: {  	_ =	shalt  }
0x51: {  	_ =	shalt  }
0x52: {  	_ =	shalt  }
0x53: {  	_ =	shalt  }
0x54: {  	_ =	shalt  }
0x55: {  	_ =	shalt  }
0x56: {  	_ =	shalt  }
0x57: {  	_ =	shalt  }
0x58: {  	_ =	shalt  }
0x59: {  	_ =	shalt  }
0x5a: {  	_ =	shalt  }
0x5b: {  	_ =	shalt  }
0x5c: {  	_ =	shalt  }
0x5d: {  	_ =	shalt  }
0x5e: {  	_ =	shalt  }
0x5f: {  	_ =	shalt  }
0x60: {  	_ =	shalt  }
0x61: {  	_ =	shalt  }
0x62: {  	_ =	shalt  }
0x63: {  	_ =	shalt  }
0x64: {  	_ =	shalt  }
0x65: {  	_ =	shalt  }
0x66: {  	_ =	shalt  }
0x67: {  	_ =	shalt  }
0x68: {  	_ =	shalt  }
0x69: {  	_ =	shalt  }
0x6a: {  	_ =	shalt  }
0x6b: {  	_ =	shalt  }
0x6c: {  	_ =	shalt  }
0x6d: {  	_ =	shalt  }
0x6e: {  	_ =	shalt  }
0x6f: {  	_ =	shalt  }
0x70: {  	_ =	shalt  }
0x71: {  	_ =	shalt  }
0x72: {  	_ =	shalt  }
0x73: {  	_ =	shalt  }
0x74: {  	_ =	shalt  }
0x75: {  	_ =	shalt  }
0x76: {  	_ =	shalt  }
0x77: {  	_ =	shalt  }
0x78: {  	_ =	shalt  }
0x79: {  	_ =	shalt  }
0x7a: {  	_ =	shalt  }
0x7b: {  	_ =	shalt  }
0x7c: {  	_ =	shalt  }
0x7d: {  	_ =	shalt  }
0x7e: {  	_ =	shalt  }
0x7f: {  	_ =	shalt  }
0x80: {  	_ =	shalt  }
0x81: {  	_ =	shalt  }
0x82: {  	_ =	shalt  }
0x83: {  	_ =	shalt  }
0x84: {  	_ =	shalt  }
0x85: {  	_ =	shalt  }
0x86: {  	_ =	shalt  }
0x87: {  	_ =	shalt  }
.Lfunc_end0:
.L_simem_size_0:
called_computation.1_lowered:
.L_overlay_start_0:
0x88: {  	s2 =	sld [smem:$0x3FD9]  }
0x89: {  	s3 =	sld [smem:$0x3FFE];
	_ =	sdelay $0x1  }
0x8a: {  	s1 =	srdreg.scid  }
0x8b: {  	s0 =	sand.u32 $0x1, s1  }
0x8c: {  	s17 =	sshll.u32 s0, $0xA;
	s2 =	sadd.s32 s3, s2  }
0x8d: {  	s2 =	sadd.s32 s2, s17  }
0x8e: {  	[smem:$0x3FBB] =	sst s2  }
0x8f: {  	_ = 	snop  }
0x90: {  	s2 =	sld [smem:$0x3FC8];
	(tm) =	ssettm $0x1  }
0x91: {  	s18 =	sld [smem:$0x3FFB];
	_ =	sdelay $0x3  }
0x92: {  	_ =	strace s18  }
0x93: {  	s3 =	sld [smem:$0x3FFC];
	_ =	sdelay $0x3  }
0x94: {  	_ =	strace s3  }
0x95: {  	s3 =	sld [smem:$0x3FFD];
	_ =	sdelay $0x3  }
0x96: {  	_ =	strace s3  }
0x97: {  	_ =	strace $0x8FFFFFFF  }
0x98: {  	s19 =	sld [smem:$0x3FDB];
	_ =	sdelay $0x1  }
0x99: {  	s4 =	simm.s32 $_scs_section_size  }
0x9a: {  	s5 =	simm.s32 $_size__tile_overlayer_lowered;
	s6 =	simm.s32 $_tile_overlayer_lowered  }
0x9b: {  	s22 =	simm.s32 $0x1BFF;
	s21 =	sshll.u32 s6, $0x1;
	s3 =	sadd.s32 s4, s19  }
0x9c: {  	s7 =	simm.s32 $0x0;
	s20 =	sshll.u32 s5, $0x1;
	s5 =	sadd.s32 s21, s3  }
0x9d: {  	[timem:s7], [sflag:s22] =	dma.local [hbm:s5], s20  }
0x9e: {  	_ =	swait.ge [sflag:s22], s20  }
0x9f: {  	s4 =	ssub.s32 $0x0, s20;
	[sflag:s22] =	ssyncset.done $0x0  }
0xa0: {  	[sflag:s22] =	ssyncadd.s32 s4;
	_ =	sdelay $0x1  }
0xa1: {  	s23 =	simm.s32 $0x1B8B  }
0xa2: {  	_ =	swait.ge [sflag:s23], $0x1  }
0xa3: {  	[sflag:s23] =	ssyncset.done $0x0  }
0xa4: {  	s25 =	simm.s32 $0x1B8E;
	s24 =	sld [smem:$0x3FFE];
	[sflag:s23] =	ssyncadd.s32 $0xFFFFFFFF  }
0xa5: {  	s26 =	simm.s32 $execute0_lowered;
	[smem:$0x3FD2] =	sst s25  }
0xa6: {  	s5 =	sshll.u32 s26, $0x1;
	_ =	strace $0x80000049;
	[dreg:$0x1] =	wrdreg $0xFFFFFFFF  }
0xa7: {  	s28 =	simm.s32 $_size_execute0_lowered;
	s3 =	sadd.s32 s3, s5;
	[dreg:$0x0] =	wrdreg $0x0  }
0xa8: {  	s5 =	sshll.u32 s28, $0x1;
	[dreg:$0x2] =	wrdreg s3  }
0xa9: {  	[dreg:$0x3] =	wrdreg s5  }
0xaa: {  	[dreg:$0x4] =	wrdreg $0xC0  }
0xab: {  	_ =	task [dreg:s7], $0x5FFFF  }
0xac: {  	[dreg:$0x1] =	wrdreg $0xFFFFFFFF  }
0xad: {  	[dreg:$0x0] =	wrdreg $0x60  }
0xae: {  	[dreg:$0x2] =	wrdreg s24  }
0xaf: {  	[dreg:$0x3] =	wrdreg s2  }
0xb0: {  	[dreg:$0x4] =	wrdreg $0x9  }
0xb1: {  	_ =	task.clear_ibuf [dreg:s7], $0x5FFFF;
	_ =	strace $0x90000049  }
0xb2: {  	s29 =	simm.s32 $0x9;
	_ =	strace $0x8000004B  }
0xb3: {  	_ =	swait.ge [sflag:s29], $0x1  }
0xb4: {  	[sflag:s29] =	ssyncadd.s32 $0xFFFFFFFF  }
0xb5: {  	_ =	strace $0x9000004B  }
0xb6: {  	_ =	sfence  }
0xb7: {  	s30 =	sld [smem:$0x0];
	_ =	sdelay $0x2  }
0xb8: {  	s31 =	sshll.u32 s1, $0xD;
	s1 =	sshrl.u32 s1, $0x2  }
0xb9: {  	s3 =	sand.u32 $0x4000, s31;
	s1 =	sadd.s32 s1, s30  }
0xba: {  	s0 =	sor.u32 s3, s0;
	s1 =	sshll.u32 s1, $0x11  }
0xbb: {  	s0 =	sor.u32 s1, s0  }
0xbc: {  	s0 =	sadd.s32 $0x8F2B, s0  }
0xbd: {  	[sflag:s0] =	ssyncadd.remote.s32 $0x1  }
0xbe: {  	_ =	sfence.sel $0xFFFF  }
0xbf: {  	[dreg:$0x0] =	wrdreg $0xFFFFFFFF;
	(pc) =	sbr.abs _section_cstart, $3  }
0xc0: {  	[dreg:$0x1] =	wrdreg $0xFFFFFFFF  }
0xc1: {  	_ =	task.clear_ibuf [dreg:s7], $0x2FFFF;
	_ =	strace $0x9FFFFFFF  }
0xc2: {  	(tm) =	ssettm $0x7FFFFFFF  }
0xc3: {  	_ =	shalt  }
tec
execute0_lowered:
.L_overlay_start_1:
0x0: {  	(tag) =	ssettag $0x1  }
0x1: {  	s6 =	rddreg [dreg:$0x0]  }
0x2: {  	s2 =	rddreg [dreg:$0x1];
	s1 =	stileid.u32  }
0x3: {  	s3 =	srdreg.scid;
	s0 =	rddreg [dreg:$0x2]  }
0x4: {  	s11 =	simm.s32 $0x3;
	s12 =	simm.s32 $0x18800;
	s13 =	simm.s32 $0x19000  }
0x5: {  	s14 =	simm.s32 $0x1;
	s15 =	simm.s32 $0x1A800;
	s16 =	simm.s32 $0x2  }
0x6: {  	s17 =	simm.s32 $0x80;
	s18 =	simm.s32 $0x400;
	s19 =	simm.s32 $0x0  }
0x7: {  	s7 =	sand.u32 $0x1, s3;
	s4 =	sshll.u32 s1, $0x1;
	s3 =	simm.s32 $0x0  }
0x8: {  	s5 =	sshll.u32 s1, $0xA;
	s8 =	sor.u32 s7, s4;
	[smem:$0x7FF] =	sst s3  }
0x9: {  	s9 =	sand.u32 $0x3000, s5;
	s5 =	sadd.s32 $0x7200, s6;
	s4 =	smul.u32 $0x186A0, s8  }
.Ltmp0:
0xa: {  	s7 =	ssub.s32 $0x2, s7;
	_ =	strace $0x8000004A;
	(pc) =	sbr.rel .LBB2_1-.Ltmp0, $4  }
0xb: {  	s9 =	sadd.s32 s9, s6;
	s8 =	sshll.u32 s8, $0x4;
	s10 =	sshrl.u32 s7, $0x1  }
0xc: {  	s8 =	sand.u32 $0x70, s8;
	s10 =	ssub.s32 s7, s10;
	s31 =	sshrl.u32 s4, $0x3  }
0xd: {  	v0 =	vimm.s32 $0x1000;
	s8 =	sadd.s32 s8, s9;
	s9 =	smax.u32 s10, $0x1;
	s6 =	sadd.s32 s5, s31  }
0xe: {  	v1 =	vimm.s32 $0x0;
	v2 =	vlaneseq.u32;
	v3 =	vimm.s32 $0x1;
	s10 =	simm.s32 $0x19800;
	s8 =	sadd.s32 $0xCA800, s8;
	s7 =	sadd.s32 $0xFA, s6  }
.LBB2_14:
0xf: {  	s19 =	sadd.s32 $0x1, s19  }
0x10: {  	p0 =	sne.s32 s19, s9  }
.Ltmp1:
0x11: {  	_ = 	snop;
	(pc) =	sbr.rel @!p0 .LBB2_15-.Ltmp1, $4  }
0x12: {  	[hbm4b:s8+s17] =	stream.strided.scatter [tilespmem:s15], [sflag:$0x3], $0x1000, s18, s17, $0x38;
	[tilespmem:$0x1B880] =	vst v63  }
0x13: {  	_ =	swait.ge [sflag:s11], $0x1000  }
0x14: {  	[sflag:s11] =	ssyncset.done $0x0  }
0x15: {  	[sflag:s11] =	ssyncadd.s32 $0xFFFFF000  }
.LBB2_1:
0x16: {  	s21 =	simm.s32 $0x40  }
0x17: {  	[tilespmem:s21+$0xFFFFFFC0] =	vst v0  }
0x18: {  	[tilespmem:s21+$0x30] =	vst v0  }
0x19: {  	[tilespmem:s21+$0x20] =	vst v0  }
0x1a: {  	[tilespmem:s21+$0x10] =	vst v0  }
0x1b: {  	[tilespmem:s21+$0x0] =	vst v0  }
0x1c: {  	[tilespmem:s21+$0xFFFFFFF0] =	vst v0  }
0x1d: {  	s22 =	simm.s32 $0x0;
	[tilespmem:s21+$0xFFFFFFE0] =	vst v0  }
.LBB2_2:
0x1e: {  	s22 =	sadd.s32 $0x8, s22;
	[tilespmem:s21+$0xFFFFFFD0] =	vst v0;
	s21 =	sadd.s32 $0x80, s21;
	s20 =	simm.s32 $0x1A840  }
0x1f: {  	[tilespmem:s21+$0xFFFFFFC0] =	vst v0;
	p0 =	slt.u32 s22, $0x1878  }
0x20: {  	[tilespmem:s21+$0x30] =	vst v0  }
.Ltmp2:
0x21: {  	[tilespmem:s21+$0x20] =	vst v0;
	(pc) =	sbr.rel @p0 .LBB2_2-.Ltmp2, $4  }
0x22: {  	[tilespmem:s21+$0x10] =	vst v0  }
0x23: {  	[tilespmem:s21+$0x0] =	vst v0  }
0x24: {  	[tilespmem:s21+$0xFFFFFFF0] =	vst v0  }
0x25: {  	[tilespmem:s21+$0xFFFFFFE0] =	vst v0  }
0x26: {  	[tilespmem:s21+$0xFFFFFFD0] =	vst v0  }
0x27: {  	[tilespmem:s20+$0xFFFFFFC0] =	vst v1  }
0x28: {  	[tilespmem:s20+$0x30] =	vst v1  }
0x29: {  	[tilespmem:s20+$0x20] =	vst v1  }
0x2a: {  	[tilespmem:s20+$0x10] =	vst v1  }
0x2b: {  	[tilespmem:s20+$0x0] =	vst v1  }
0x2c: {  	[tilespmem:s20+$0xFFFFFFF0] =	vst v1  }
0x2d: {  	s21 =	simm.s32 $0x0;
	[tilespmem:s20+$0xFFFFFFE0] =	vst v1  }
.LBB2_4:
0x2e: {  	s21 =	sadd.s32 $0x8, s21;
	[tilespmem:s20+$0xFFFFFFD0] =	vst v1;
	s20 =	sadd.s32 $0x80, s20  }
0x2f: {  	[tilespmem:s20+$0xFFFFFFC0] =	vst v1;
	p0 =	slt.u32 s21, $0x100  }
0x30: {  	[tilespmem:s20+$0x30] =	vst v1  }
.Ltmp3:
0x31: {  	[tilespmem:s20+$0x20] =	vst v1;
	(pc) =	sbr.rel @p0 .LBB2_4-.Ltmp3, $4  }
0x32: {  	[tilespmem:s20+$0x10] =	vst v1  }
0x33: {  	[tilespmem:s20+$0x0] =	vst v1  }
0x34: {  	[tilespmem:s20+$0xFFFFFFF0] =	vst v1  }
0x35: {  	[tilespmem:s20+$0xFFFFFFE0] =	vst v1  }
0x36: {  	[tilespmem:s20+$0xFFFFFFD0] =	vst v1;
	s20 =	simm.s32 $0x0  }
0x37: {  	[tilespmem:s10], [sflag:$0x3] =	stream.linear.gather [hbm4b:s2+s20], $0x1000, $0x38;
	[tilespmem:$0x1B880] =	vst v63  }
0x38: {  	_ =	swait.ge [sflag:s11], $0x1000  }
0x39: {  	[sflag:s11] =	ssyncset.done $0x0  }
0x3a: {  	s21 =	simm.s32 $0xFFFFFFFC;
	s22 =	simm.s32 $0x19820;
	[sflag:s11] =	ssyncadd.s32 $0xFFFFF000  }
.LBB2_6:
0x3b: {  	v4 =	vld [tilespmem:s22+$0xFFFFFFE0];
	_ =	sdelay $0x6  }
0x3c: {  	v5 =	vor.u32 s20, v2  }
0x3d: {  	[tilespmem:v4+s3+$0x0] =	vst.idx.msk $0xffff, v5  }
0x3e: {  	v4 =	vld [tilespmem:s22+$0xFFFFFFF0];
	_ =	sdelay $0x5  }
0x3f: {  	s23 =	sadd.s32 $0x10, s20  }
0x40: {  	v5 =	vor.u32 s23, v2  }
0x41: {  	[tilespmem:v4+s3+$0x0] =	vst.idx.msk $0xffff, v5  }
0x42: {  	v4 =	vld [tilespmem:s22+$0x0];
	_ =	sdelay $0x5  }
0x43: {  	s30 =	sadd.s32 $0x20, s20  }
0x44: {  	v5 =	vor.u32 s30, v2  }
0x45: {  	[tilespmem:v4+s3+$0x0] =	vst.idx.msk $0xffff, v5  }
0x46: {  	v4 =	vld [tilespmem:s22+$0x10];
	_ =	sdelay $0x1  }
0x47: {  	s21 =	sadd.s32 $0x4, s21  }
0x48: {  	p0 =	slt.u32 s21, $0xFC  }
.Ltmp4:
0x49: {  	_ = 	snop;
	(pc) =	sbr.rel @p0 .LBB2_6-.Ltmp4, $4  }
0x4a: {  	_ = 	snop  }
0x4b: {  	s31 =	sadd.s32 $0x30, s20  }
0x4c: {  	v5 =	vor.u32 s31, v2  }
0x4d: {  	s20 =	sadd.s32 $0x40, s20;
	s22 =	sadd.s32 $0x40, s22;
	[tilespmem:v4+s3+$0x0] =	vst.idx.msk $0xffff, v5  }
0x4e: {  	s20 =	simm.s32 $0x0  }
0x4f: {  	[tilespmem:s12], [sflag:$0x1] =	stream.linear.gather [hbm4b:s6+s20], $0x7D0, $0x38;
	[tilespmem:$0x1B880] =	vst v63  }
0x50: {  	_ = 	snop  }
0x51: {  	[tilespmem:s13], [sflag:$0x2] =	stream.linear.gather [hbm4b:s7+s20], $0x7D0, $0x38;
	[tilespmem:$0x1B880] =	vst v63  }
.LBB2_8:
0x52: {  	_ =	swait.ge [sflag:s14], $0x7D0  }
0x53: {  	[sflag:s14] =	ssyncset.done $0x0  }
0x54: {  	s21 =	simm.s32 $0xFFFFFFFB;
	s22 =	simm.s32 $0x18820;
	[sflag:s14] =	ssyncadd.s32 $0xFFFFF830  }
.LBB2_9:
0x55: {  	v4 =	vld [tilespmem:s22+$0xFFFFFFE0];
	_ =	sdelay $0x7  }
0x56: {  	v4 =	vld.idx.msk [tilespmem:v4+s3+$0x0], $0xffff;
	_ =	sdelay $0x7  }
0x57: {  	[tilespmem:v4+s15+$0x0] =	vst.idx.msk $0xffff, v3  }
0x58: {  	v4 =	vld [tilespmem:s22+$0xFFFFFFF0];
	_ =	sdelay $0x7  }
0x59: {  	v4 =	vld.idx.msk [tilespmem:v4+s3+$0x0], $0xffff;
	_ =	sdelay $0x7  }
0x5a: {  	[tilespmem:v4+s15+$0x0] =	vst.idx.msk $0xffff, v3  }
0x5b: {  	v4 =	vld [tilespmem:s22+$0x0];
	_ =	sdelay $0x7  }
0x5c: {  	v4 =	vld.idx.msk [tilespmem:v4+s3+$0x0], $0xffff;
	_ =	sdelay $0x7  }
0x5d: {  	[tilespmem:v4+s15+$0x0] =	vst.idx.msk $0xffff, v3  }
0x5e: {  	v4 =	vld [tilespmem:s22+$0x10];
	_ =	sdelay $0x7  }
0x5f: {  	v4 =	vld.idx.msk [tilespmem:v4+s3+$0x0], $0xffff;
	_ =	sdelay $0x7  }
0x60: {  	[tilespmem:v4+s15+$0x0] =	vst.idx.msk $0xffff, v3  }
0x61: {  	v4 =	vld [tilespmem:s22+$0x20];
	_ =	sdelay $0x7  }
0x62: {  	v4 =	vld.idx.msk [tilespmem:v4+s3+$0x0], $0xffff;
	_ =	sdelay $0x1  }
0x63: {  	s21 =	sadd.s32 $0x5, s21  }
0x64: {  	p0 =	slt.u32 s21, $0x78  }
.Ltmp5:
0x65: {  	_ = 	snop;
	(pc) =	sbr.rel @p0 .LBB2_9-.Ltmp5, $2  }
0x66: {  	_ =	sdelay $0x2  }
0x67: {  	s22 =	sadd.s32 $0x50, s22;
	[tilespmem:v4+s15+$0x0] =	vst.idx.msk $0xffff, v3  }
0x68: {  	s21 =	smul.u32 $0xFA0, s20;
	_ =	sdelay $0x1  }
0x69: {  	p0 =	seq.s32 s20, $0x18;
	s21 =	sadd.s32 s4, s21  }
0x6a: {  	s22 =	sshrl.u32 @!p0 s21, $0x3  }
0x6b: {  	s22 =	sadd.s32 @!p0 s5, s22  }
0x6c: {  	s23 =	simm.s32 @!p0 $0x0;
	s24 =	simm.s32 @!p0 $0x18800;
	s22 =	sadd.s32 @!p0 $0x1F4, s22  }
0x6d: {  	[tilespmem:s24], [sflag:$0x1] =	stream.linear.gather @!p0 [hbm4b:s22+s23], $0x7D0, $0x38;
	[tilespmem:$0x1B880] =	vst v63  }
0x6e: {  	_ =	swait.ge [sflag:s16], $0x7D0  }
0x6f: {  	[sflag:s16] =	ssyncset.done $0x0  }
0x70: {  	s22 =	simm.s32 $0xFFFFFFFB;
	s23 =	simm.s32 $0x19020;
	[sflag:s16] =	ssyncadd.s32 $0xFFFFF830  }
.LBB2_11:
0x71: {  	v4 =	vld [tilespmem:s23+$0xFFFFFFE0];
	_ =	sdelay $0x7  }
0x72: {  	v4 =	vld.idx.msk [tilespmem:v4+s3+$0x0], $0xffff;
	_ =	sdelay $0x7  }
0x73: {  	[tilespmem:v4+s15+$0x0] =	vst.idx.msk $0xffff, v3  }
0x74: {  	v4 =	vld [tilespmem:s23+$0xFFFFFFF0];
	_ =	sdelay $0x7  }
0x75: {  	v4 =	vld.idx.msk [tilespmem:v4+s3+$0x0], $0xffff;
	_ =	sdelay $0x7  }
0x76: {  	[tilespmem:v4+s15+$0x0] =	vst.idx.msk $0xffff, v3  }
0x77: {  	v4 =	vld [tilespmem:s23+$0x0];
	_ =	sdelay $0x7  }
0x78: {  	v4 =	vld.idx.msk [tilespmem:v4+s3+$0x0], $0xffff;
	_ =	sdelay $0x7  }
0x79: {  	[tilespmem:v4+s15+$0x0] =	vst.idx.msk $0xffff, v3  }
0x7a: {  	v4 =	vld [tilespmem:s23+$0x10];
	_ =	sdelay $0x7  }
0x7b: {  	v4 =	vld.idx.msk [tilespmem:v4+s3+$0x0], $0xffff;
	_ =	sdelay $0x7  }
0x7c: {  	[tilespmem:v4+s15+$0x0] =	vst.idx.msk $0xffff, v3  }
0x7d: {  	v4 =	vld [tilespmem:s23+$0x20];
	_ =	sdelay $0x7  }
0x7e: {  	v4 =	vld.idx.msk [tilespmem:v4+s3+$0x0], $0xffff;
	_ =	sdelay $0x1  }
0x7f: {  	s22 =	sadd.s32 $0x5, s22  }
0x80: {  	p1 =	slt.u32 s22, $0x78  }
.Ltmp6:
0x81: {  	_ = 	snop;
	(pc) =	sbr.rel @p1 .LBB2_11-.Ltmp6, $2  }
0x82: {  	_ =	sdelay $0x2  }
0x83: {  	s23 =	sadd.s32 $0x50, s23;
	[tilespmem:v4+s15+$0x0] =	vst.idx.msk $0xffff, v3  }
.Ltmp7:
0x84: {  	(pc) =	sbr.rel @p0 .LBB2_14-.Ltmp7, $1  }
0x85: {  	_ =	sdelay $0x3  }
.Ltmp8:
0x86: {  	(pc) =	sbr.rel .LBB2_8-.Ltmp8, $4  }
0x87: {  	s21 =	sshrl.u32 s21, $0x3  }
0x88: {  	s21 =	sadd.s32 s5, s21  }
0x89: {  	s20 =	sadd.s32 $0x1, s20;
	s21 =	sadd.s32 $0x2EE, s21  }
0x8a: {  	[tilespmem:s13], [sflag:$0x2] =	stream.linear.gather [hbm4b:s21+s3], $0x7D0, $0x38;
	[tilespmem:$0x1B880] =	vst v63  }
.LBB2_15:
0x8b: {  	_ =	sfence.sel $0x180000  }
0x8c: {  	[bflag:$0x0] =	sbarrier.arrive $0xFFFF  }
0x8d: {  	p0 =	sne.s32 s1, $0x0;
	_ =	strace $0x9000004A  }
0x8e: {  	s0 =	sadd.s32 @!p0 $0x100000, s0;
	[bflag:$0x2] =	sbarrier.arrive $0xFFFF  }
0x8f: {  	[sflag:s0] =	ssyncadd.tile.s32 @!p0 $0x1;
	_ =	shalt  }
.Lfunc_end2:
_tile_overlayer_lowered:
.L_overlay_start_2:
0x90: {  	(tag) =	ssettag $0x2  }
0x91: {  	s0 =	rddreg [dreg:$0x0];
	s2 =	stileid.u32  }
0x92: {  	s1 =	rddreg [dreg:$0x1];
	p0 =	sne.s32 s2, $0x0  }
0x93: {  	s3 =	rddreg [dreg:$0x2];
	[bflag:$0x3] =	sbarrier.arrive $0xFFFF;
	s2 =	simm.s32 @!p0 $0x1C03  }
0x94: {  	[timem:s3], [sflag:s2] =	dma.local @!p0 [hbm:s0], s1  }
0x95: {  	s0 =	simm.s32 @!p0 $0x3  }
0x96: {  	_ =	swait.ge @!p0 [sflag:s0], s1  }
0x97: {  	s1 =	ssub.s32 @!p0 $0x0, s1;
	[sflag:s0] =	ssyncset.done @!p0 $0x0  }
0x98: {  	[sflag:s0] =	ssyncadd.s32 @!p0 s1  }
0x99: {  	[bflag:$0x3] =	sbarrier.arrive $0xFFFF  }
0x9a: {  	_ =	shalt  }

// kernel: kernel.4.cloned.1.call-start
scs
__scs_entry_jumppad:
0x0: {  	(pc) =	sbr.rel $0x88, $3  }
0x1: {  	(tag) =	ssettag $0x0;
	lr =	simm.s32 $0x1  }
0x2: {  	[smem:$0x3F94] =	sst lr;
	_ =	strace $0xD0000000  }
0x3: {  	_ = 	snop  }
0x4: {  	_ = 	snop  }
0x5: {  	_ = 	snop  }
0x6: {  	_ = 	snop  }
0x7: {  	_ = 	snop  }
__scs_overlays_trampoline_lowered:
0x8: {  	[smem:$0x3FA3] =	sst s0  }
0x9: {  	[smem:$0x3FA4] =	sst s1  }
0xa: {  	[smem:$0x3FA5] =	sst s2  }
0xb: {  	[smem:$0x3FA6] =	sst s3  }
0xc: {  	[smem:$0x3FA7] =	sst s4  }
0xd: {  	[smem:$0x3FA8] =	sst s5  }
0xe: {  	[smem:$0x3FA9] =	sst s6  }
0xf: {  	[smem:$0x3FAA] =	sst s7  }
0x10: {  	[smem:$0x3FAB] =	sst s8  }
0x11: {  	[smem:$0x3FAC] =	sst s9;
	s0 =	simm.s32 @!p0 $0x0  }
0x12: {  	s1 =	sld [smem:$0x3F92];
	s0 =	simm.s32 @p0 $0x1  }
0x13: {  	[smem:$0x3FAD] =	sst s0;
	s0 =	simm.s32 @!p1 $0x0  }
0x14: {  	s2 =	sld [smem:$0x3F91];
	s0 =	simm.s32 @p1 $0x1  }
0x15: {  	[smem:$0x3FAE] =	sst s0;
	s0 =	simm.s32 @!p2 $0x0  }
0x16: {  	s3 =	sld [smem:$0x3FDB];
	s0 =	simm.s32 @p2 $0x1  }
0x17: {  	s4 =	simm.s32 $0x1BF5;
	[smem:$0x3FB0] =	sst s0  }
0x18: {  	s0 =	sld [smem:$0x3F93];
	_ =	swait.ge [sflag:s4], $0x0  }
0x19: {  	s7 =	sld [smem:$0x3F94]  }
0x1a: {  	s8 =	sadd.s32 $0xFFFFE003, lr  }
0x1b: {  	s9 =	sadd.s32 $0xFFFFFEF7, lr;
	s5 =	simm.s32 $0xFFFFFFFF;
	p2 =	slt.u32 s8, $0xFFFFF086  }
0x1c: {  	p1 =	slt.u32 s9, $0xF7A;
	s5 =	simm.s32 @!p2 $0x0  }
0x1d: {  	s5 =	simm.s32 @p1 $0x1;
	p0 =	seq.s32 s7, s2  }
0x1e: {  	s7 =	smul.u32 @!p0 $0xF7A, s2;
	p2 =	seq.s32 @!p0 s5, $0x0  }
0x1f: {  	s9 =	smul.u32 $0xF7A, s1;
	s8 =	simm.s32 @!p0 $0x1BF5;
	p2 =	por !p2, p0  }
0x20: {  	[sflag:s8] =	ssyncset.s32 @!p0 $0xFFFFF086;
	s6 =	sadd.s32 @!p0 s3, s7;
	s7 =	simm.s32 @!p0 $0x108  }
0x21: {  	s3 =	sadd.s32 s3, s9;
	s6 =	sadd.s32 @!p0 $0x88, s6;
	s7 =	simm.s32 @p2 $0x1082  }
0x22: {  	[simem:s7], [sflag:s8] =	dma.local @!p0 [hbm:s6], $0xF7A  }
0x23: {  	s9 =	sor.u32 $0xD0000000, s2;
	s6 =	simm.s32 $0x108;
	_ =	swait.ge @!p0 [sflag:s8], $0x0  }
0x24: {  	s3 =	sadd.s32 $0x88, s3;
	s6 =	simm.s32 @!p1 $0x1082;
	[sflag:s4] =	ssyncset.s32 $0xFFFFF086  }
0x25: {  	[simem:s6], [sflag:s4] =	dma.local [hbm:s3], $0xF7A  }
0x26: {  	[smem:$0x3F94] =	sst s1;
	(tag) =	ssettag s2;
	_ =	strace s9  }
0x27: {  	s1 =	sld [smem:$0x3FA4]  }
0x28: {  	s2 =	sld [smem:$0x3FA5]  }
0x29: {  	s4 =	sld [smem:$0x3FA7]  }
0x2a: {  	p0 =	seq.s32 s5, $0x0;
	s5 =	sld [smem:$0x3FA8]  }
0x2b: {  	s6 =	sld [smem:$0x3FA9]  }
0x2c: {  	s7 =	sld [smem:$0x3FAA]  }
0x2d: {  	s3 =	simm.s32 $0x108;
	s8 =	sld [smem:$0x3FAB]  }
0x2e: {  	s3 =	simm.s32 @!p0 $0x1082;
	s9 =	sld [smem:$0x3FAC]  }
0x2f: {  	lr =	sadd.s32 s0, s3;
	s0 =	sld [smem:$0x3FA3]  }
0x30: {  	s3 =	sld [smem:$0x3FA6]  }
0x31: {  	[smem:$0x3FAF] =	sst s10  }
0x32: {  	s10 =	sld [smem:$0x3FAD];
	_ =	sdelay $0x3  }
0x33: {  	p0 =	seq.s32 s10, $0x1;
	s10 =	sld [smem:$0x3FAF];
	_ =	sdelay $0x3  }
0x34: {  	[smem:$0x3FAF] =	sst s10  }
0x35: {  	s10 =	sld [smem:$0x3FAE];
	_ =	sdelay $0x3  }
0x36: {  	p1 =	seq.s32 s10, $0x1;
	s10 =	sld [smem:$0x3FAF];
	_ =	sdelay $0x3  }
0x37: {  	[smem:$0x3FAF] =	sst s10  }
0x38: {  	s10 =	sld [smem:$0x3FB0]  }
0x39: {  	_ = 	snop;
	(pc) =	sbr.ind lr, $3  }
0x3a: {  	_ = 	snop  }
0x3b: {  	_ = 	snop  }
0x3c: {  	p2 =	seq.s32 s10, $0x1;
	s10 =	sld [smem:$0x3FAF]  }
0x3d: {  	_ =	shalt  }
0x3e: {  	_ =	shalt  }
0x3f: {  	_ =	shalt  }
0x40: {  	_ =	shalt  }
0x41: {  	_ =	shalt  }
0x42: {  	_ =	shalt  }
0x43: {  	_ =	shalt  }
0x44: {  	_ =	shalt  }
0x45: {  	_ =	shalt  }
0x46: {  	_ =	shalt  }
0x47: {  	_ =	shalt  }
0x48: {  	_ =	shalt  }
0x49: {  	_ =	shalt  }
0x4a: {  	_ =	shalt  }
0x4b: {  	_ =	shalt  }
0x4c: {  	_ =	shalt  }
0x4d: {  	_ =	shalt  }
0x4e: {  	_ =	shalt  }
0x4f: {  	_ =	shalt  }
0x50: {  	_ =	shalt  }
0x51: {  	_ =	shalt  }
0x52: {  	_ =	shalt  }
0x53: {  	_ =	shalt  }
0x54: {  	_ =	shalt  }
0x55: {  	_ =	shalt  }
0x56: {  	_ =	shalt  }
0x57: {  	_ =	shalt  }
0x58: {  	_ =	shalt  }
0x59: {  	_ =	shalt  }
0x5a: {  	_ =	shalt  }
0x5b: {  	_ =	shalt  }
0x5c: {  	_ =	shalt  }
0x5d: {  	_ =	shalt  }
0x5e: {  	_ =	shalt  }
0x5f: {  	_ =	shalt  }
0x60: {  	_ =	shalt  }
0x61: {  	_ =	shalt  }
0x62: {  	_ =	shalt  }
0x63: {  	_ =	shalt  }
0x64: {  	_ =	shalt  }
0x65: {  	_ =	shalt  }
0x66: {  	_ =	shalt  }
0x67: {  	_ =	shalt  }
0x68: {  	_ =	shalt  }
0x69: {  	_ =	shalt  }
0x6a: {  	_ =	shalt  }
0x6b: {  	_ =	shalt  }
0x6c: {  	_ =	shalt  }
0x6d: {  	_ =	shalt  }
0x6e: {  	_ =	shalt  }
0x6f: {  	_ =	shalt  }
0x70: {  	_ =	shalt  }
0x71: {  	_ =	shalt  }
0x72: {  	_ =	shalt  }
0x73: {  	_ =	shalt  }
0x74: {  	_ =	shalt  }
0x75: {  	_ =	shalt  }
0x76: {  	_ =	shalt  }
0x77: {  	_ =	shalt  }
0x78: {  	_ =	shalt  }
0x79: {  	_ =	shalt  }
0x7a: {  	_ =	shalt  }
0x7b: {  	_ =	shalt  }
0x7c: {  	_ =	shalt  }
0x7d: {  	_ =	shalt  }
0x7e: {  	_ =	shalt  }
0x7f: {  	_ =	shalt  }
0x80: {  	_ =	shalt  }
0x81: {  	_ =	shalt  }
0x82: {  	_ =	shalt  }
0x83: {  	_ =	shalt  }
0x84: {  	_ =	shalt  }
0x85: {  	_ =	shalt  }
0x86: {  	_ =	shalt  }
0x87: {  	_ =	shalt  }
.Lfunc_end0:
.L_simem_size_0:
called_computation.2_lowered:
.L_overlay_start_0:
0x88: {  	s2 =	sld [smem:$0x3FD9]  }
0x89: {  	s3 =	sld [smem:$0x3FFE];
	_ =	sdelay $0x1  }
0x8a: {  	s1 =	srdreg.scid  }
0x8b: {  	s0 =	sand.u32 $0x1, s1  }
0x8c: {  	s17 =	sshll.u32 s0, $0xA;
	s2 =	sadd.s32 s3, s2  }
0x8d: {  	s2 =	sadd.s32 s2, s17  }
0x8e: {  	[smem:$0x3FBB] =	sst s2  }
0x8f: {  	_ = 	snop  }
0x90: {  	s2 =	sld [smem:$0x3FC8]  }
0x91: {  	s18 =	sld [smem:$0x3FC6];
	(tm) =	ssettm $0x1  }
0x92: {  	s4 =	sld [smem:$0x3FFB];
	_ =	sdelay $0x3  }
0x93: {  	_ =	strace s4  }
0x94: {  	s4 =	sld [smem:$0x3FFC];
	_ =	sdelay $0x3  }
0x95: {  	_ =	strace s4  }
0x96: {  	s4 =	sld [smem:$0x3FFD];
	_ =	sdelay $0x3  }
0x97: {  	_ =	strace s4  }
0x98: {  	_ =	strace $0x8FFFFFFF  }
0x99: {  	s19 =	sld [smem:$0x3FDB];
	_ =	sdelay $0x1  }
0x9a: {  	s5 =	simm.s32 $_scs_section_size  }
0x9b: {  	s6 =	simm.s32 $_size__tile_overlayer_lowered;
	s7 =	simm.s32 $_tile_overlayer_lowered  }
0x9c: {  	s22 =	simm.s32 $0x1BFF;
	s21 =	sshll.u32 s7, $0x1;
	s4 =	sadd.s32 s5, s19  }
0x9d: {  	s8 =	simm.s32 $0x0;
	s20 =	sshll.u32 s6, $0x1;
	s6 =	sadd.s32 s21, s4  }
0x9e: {  	[timem:s8], [sflag:s22] =	dma.local [hbm:s6], s20  }
0x9f: {  	_ =	swait.ge [sflag:s22], s20  }
0xa0: {  	s5 =	ssub.s32 $0x0, s20;
	[sflag:s22] =	ssyncset.done $0x0  }
0xa1: {  	[sflag:s22] =	ssyncadd.s32 s5;
	_ =	sdelay $0x1  }
0xa2: {  	s23 =	simm.s32 $0x1B8B  }
0xa3: {  	_ =	swait.ge [sflag:s23], $0x1  }
0xa4: {  	[sflag:s23] =	ssyncset.done $0x0  }
0xa5: {  	s25 =	simm.s32 $0x1B8E;
	s24 =	sld [smem:$0x3FFE];
	[sflag:s23] =	ssyncadd.s32 $0xFFFFFFFF  }
0xa6: {  	s26 =	simm.s32 $execute0_lowered;
	[smem:$0x3FD2] =	sst s25  }
0xa7: {  	s6 =	sshll.u32 s26, $0x1;
	_ =	strace $0x8000004C;
	[dreg:$0x1] =	wrdreg $0xFFFFFFFF  }
0xa8: {  	s28 =	simm.s32 $_size_execute0_lowered;
	s4 =	sadd.s32 s4, s6;
	[dreg:$0x0] =	wrdreg $0x0  }
0xa9: {  	s6 =	sshll.u32 s28, $0x1;
	[dreg:$0x2] =	wrdreg s4  }
0xaa: {  	[dreg:$0x3] =	wrdreg s6  }
0xab: {  	[dreg:$0x4] =	wrdreg $0xC0  }
0xac: {  	_ =	task [dreg:s8], $0x5FFFF  }
0xad: {  	[dreg:$0x1] =	wrdreg $0xFFFFFFFF  }
0xae: {  	[dreg:$0x0] =	wrdreg $0x60  }
0xaf: {  	[dreg:$0x2] =	wrdreg s2  }
0xb0: {  	[dreg:$0x3] =	wrdreg s18  }
0xb1: {  	[dreg:$0x4] =	wrdreg s24  }
0xb2: {  	[dreg:$0x5] =	wrdreg $0x9  }
0xb3: {  	_ =	task.clear_ibuf [dreg:s8], $0x6FFFF;
	_ =	strace $0x9000004C  }
0xb4: {  	s29 =	simm.s32 $0x9;
	_ =	strace $0x8000004E  }
0xb5: {  	_ =	swait.ge [sflag:s29], $0x1  }
0xb6: {  	[sflag:s29] =	ssyncadd.s32 $0xFFFFFFFF  }
0xb7: {  	_ =	strace $0x9000004E  }
0xb8: {  	_ =	sfence  }
0xb9: {  	s30 =	sld [smem:$0x0];
	_ =	sdelay $0x2  }
0xba: {  	s31 =	sshll.u32 s1, $0xD;
	s1 =	sshrl.u32 s1, $0x2  }
0xbb: {  	s3 =	sand.u32 $0x4000, s31;
	s1 =	sadd.s32 s1, s30  }
0xbc: {  	s0 =	sor.u32 s3, s0;
	s1 =	sshll.u32 s1, $0x11  }
0xbd: {  	s0 =	sor.u32 s1, s0  }
0xbe: {  	s0 =	sadd.s32 $0x8F2B, s0  }
0xbf: {  	[sflag:s0] =	ssyncadd.remote.s32 $0x1  }
0xc0: {  	_ =	sfence.sel $0xFFFF  }
0xc1: {  	[dreg:$0x0] =	wrdreg $0xFFFFFFFF;
	(pc) =	sbr.abs _section_cstart, $3  }
0xc2: {  	[dreg:$0x1] =	wrdreg $0xFFFFFFFF  }
0xc3: {  	_ =	task.clear_ibuf [dreg:s8], $0x2FFFF;
	_ =	strace $0x9FFFFFFF  }
0xc4: {  	(tm) =	ssettm $0x7FFFFFFF  }
0xc5: {  	_ =	shalt  }
tec
execute0_lowered:
.L_overlay_start_1:
0x0: {  	(tag) =	ssettag $0x1  }
0x1: {  	s1 =	rddreg [dreg:$0x0]  }
0x2: {  	s6 =	rddreg [dreg:$0x1]  }
0x3: {  	s2 =	srdreg.scid;
	s0 =	stileid.u32  }
0x4: {  	s5 =	rddreg [dreg:$0x2];
	s12 =	simm.s32 $0x19800;
	s13 =	simm.s32 $0x80  }
0x5: {  	s14 =	simm.s32 $0x400;
	s15 =	simm.s32 $0x1C080;
	s7 =	sand.u32 $0x1, s2  }
0x6: {  	s3 =	sshll.u32 s0, $0x1;
	s2 =	rddreg [dreg:$0x3];
	s9 =	sshrl.u32 s0, $0x2  }
0x7: {  	s8 =	sor.u32 s7, s3;
	s3 =	simm.s32 $0x0;
	s10 =	smul.u32 $0x1400, s9  }
0x8: {  	s9 =	sshll.u32 s9, $0xA;
	s7 =	ssub.s32 $0x2, s7;
	s4 =	sshll.u32 s8, $0x7  }
0x9: {  	[smem:$0x7FF] =	sst s3;
	s29 =	sshrl.u32 s7, $0x1;
	s31 =	sshll.u32 s8, $0x4  }
0xa: {  	s11 =	sand.u32 $0x380, s4;
	_ =	strace $0x8000004D;
	s30 =	ssub.s32 s7, s29  }
0xb: {  	s16 =	sadd.s32 $0x18800, s4;
	s6 =	sadd.s32 s6, s31;
	s9 =	sor.u32 s9, s11  }
0xc: {  	s10 =	sor.u32 s10, s11;
	s8 =	smax.u32 s30, $0x1;
	s9 =	sshrl.u32 s9, $0x3  }
0xd: {  	s11 =	simm.s32 $0x1C300;
	s10 =	sshrl.u32 s10, $0x3;
	s9 =	sadd.s32 s9, s5  }
0xe: {  	v0 =	vlaneseq.u32;
	v4 =	vmov s16;
	s16 =	simm.s32 $0x0;
	s10 =	sadd.s32 s10, s5;
	s5 =	sadd.s32 $0x2000, s9  }
0xf: {  	v1 =	vimm.s32 $0x0;
	v3 =	vimm.s32 $0x1;
	v2 =	vmul.u32 $0x280, v0;
	s7 =	sadd.s32 $0x2200, s10;
	s9 =	simm.s32 $0x18800;
	s10 =	simm.s32 $0x1  }
.LBB2_1:
0x10: {  	[tilespmem:s9], [sflag:$0x1] =	stream.linear.gather [hbm4b:s1+s3], $0x1000, $0x38;
	[tilespmem:$0x1C380] =	vst v63  }
0x11: {  	_ =	swait.ge [sflag:s10], $0x1000  }
0x12: {  	s18 =	simm.s32 $0xFFFFFFFC;
	[sflag:s10] =	ssyncset.done $0x0  }
0x13: {  	s19 =	simm.s32 $0x18820;
	s20 =	simm.s32 $0x0;
	[sflag:s10] =	ssyncadd.s32 $0xFFFFF000  }
.LBB2_2:
0x14: {  	v5 =	vld [tilespmem:s19+$0xFFFFFFE0];
	_ =	sdelay $0x6  }
0x15: {  	v6 =	vor.u32 s20, v0;
	s17 =	simm.s32 $0x0  }
0x16: {  	[tilespmem:v5+s17+$0x0] =	vst.idx.msk $0xffff, v6  }
0x17: {  	v5 =	vld [tilespmem:s19+$0xFFFFFFF0];
	_ =	sdelay $0x5  }
0x18: {  	s21 =	sadd.s32 $0x10, s20  }
0x19: {  	v6 =	vor.u32 s21, v0  }
0x1a: {  	[tilespmem:v5+s17+$0x0] =	vst.idx.msk $0xffff, v6  }
0x1b: {  	v5 =	vld [tilespmem:s19+$0x0];
	_ =	sdelay $0x5  }
0x1c: {  	s30 =	sadd.s32 $0x20, s20  }
0x1d: {  	v6 =	vor.u32 s30, v0  }
0x1e: {  	[tilespmem:v5+s17+$0x0] =	vst.idx.msk $0xffff, v6  }
0x1f: {  	v5 =	vld [tilespmem:s19+$0x10];
	_ =	sdelay $0x1  }
0x20: {  	s18 =	sadd.s32 $0x4, s18  }
0x21: {  	p1 =	slt.u32 s18, $0xFC  }
.Ltmp0:
0x22: {  	_ = 	snop;
	(pc) =	sbr.rel @p1 .LBB2_2-.Ltmp0, $4  }
0x23: {  	_ = 	snop  }
0x24: {  	s31 =	sadd.s32 $0x30, s20  }
0x25: {  	v6 =	vor.u32 s31, v0  }
0x26: {  	s20 =	sadd.s32 $0x40, s20;
	p0 =	por $0x1, $0x1;
	s19 =	sadd.s32 $0x40, s19;
	[tilespmem:v5+s17+$0x0] =	vst.idx.msk $0xffff, v6;
	v5 =	vimm.s32 $0x0  }
.LBB2_3:
0x27: {  	v6 =	vld.idx.msk [tilespmem:v4+s17+$0x0 ss:$0x1], $0xffff;
	s18 =	sor.u32 $0x10, s17  }
0x28: {  	s19 =	sor.u32 $0x20, s17;
	v7 =	vld.idx.msk [tilespmem:v4+s18+$0x0 ss:$0x1], $0xffff  }
0x29: {  	s20 =	sor.u32 $0x30, s17;
	v8 =	vld.idx.msk [tilespmem:v4+s19+$0x0 ss:$0x1], $0xffff  }
0x2a: {  	v9 =	vld.idx.msk [tilespmem:v4+s20+$0x0 ss:$0x1], $0xffff;
	_ =	sdelay $0x4  }
0x2b: {  	v6 =	vld.idx.msk [tilespmem:v6+s3+$0x0], $0xffff  }
0x2c: {  	v7 =	vld.idx.msk [tilespmem:v7+s3+$0x0], $0xffff  }
0x2d: {  	v8 =	vld.idx.msk [tilespmem:v8+s3+$0x0], $0xffff  }
0x2e: {  	v9 =	vld.idx.msk [tilespmem:v9+s3+$0x0], $0xffff  }
0x2f: {  	s29 =	sor.u32 s4, s17;
	s18 =	sor.u32 s4, s18  }
0x30: {  	v10 =	vor.u32 s29, v0;
	s30 =	sor.u32 s4, s19;
	v11 =	vor.u32 s18, v0  }
0x31: {  	p1 =	por p0, p0;
	s31 =	sor.u32 s4, s20;
	vm0 =	vne.s32 v6, v10;
	v6 =	vor.u32 s30, v0;
	vm1 =	vne.s32 v7, v11  }
.Ltmp1:
0x32: {  	vm14 =	vne.s32 v8, v6;
	v6 =	vor.u32 s31, v0;
	vm0 =	vmor vm0, vm1;
	(pc) =	sbr.rel @p1 .LBB2_3-.Ltmp1, $4  }
0x33: {  	vm15 =	vne.s32 v9, v6;
	vm0 =	vmor vm0, vm14  }
0x34: {  	vm0 =	vmor vm0, vm15  }
0x35: {  	v6 =	vsel vm0, $0x1, v1  }
0x36: {  	s17 =	simm.s32 $0x40;
	p0 =	por $0x0, $0x0;
	v5 =	vor.u32 v6, v5  }
0x37: {  	[tilespmem:$0x1C300] =	vst v5  }
0x38: {  	[hbm4b:s5+s3] =	stream.linear.scatter [tilespmem:s11], [sflag:$0x1], $0x80, $0x38;
	[tilespmem:$0x1C380] =	vst v63  }
0x39: {  	_ =	swait.ge [sflag:s10], $0x80  }
0x3a: {  	[sflag:s10] =	ssyncset.done $0x0  }
0x3b: {  	s17 =	simm.s32 $0x198C0;
	[sflag:s10] =	ssyncadd.s32 $0xFFFFFF80  }
0x3c: {  	[tilespmem:s17+$0xFFFFFFC0] =	vst v1  }
0x3d: {  	[tilespmem:s17+$0x30] =	vst v1  }
0x3e: {  	[tilespmem:s17+$0x20] =	vst v1  }
0x3f: {  	[tilespmem:s17+$0x10] =	vst v1  }
0x40: {  	[tilespmem:s17+$0x0] =	vst v1  }
0x41: {  	[tilespmem:s17+$0xFFFFFFF0] =	vst v1  }
0x42: {  	s18 =	simm.s32 $0x0;
	[tilespmem:s17+$0xFFFFFFE0] =	vst v1  }
.LBB2_5:
0x43: {  	s18 =	sadd.s32 $0x8, s18;
	[tilespmem:s17+$0xFFFFFFD0] =	vst v1;
	s17 =	sadd.s32 $0x80, s17  }
0x44: {  	[tilespmem:s17+$0xFFFFFFC0] =	vst v1;
	p0 =	slt.u32 s18, $0x278  }
0x45: {  	[tilespmem:s17+$0x30] =	vst v1  }
.Ltmp2:
0x46: {  	[tilespmem:s17+$0x20] =	vst v1;
	(pc) =	sbr.rel @p0 .LBB2_5-.Ltmp2, $4  }
0x47: {  	[tilespmem:s17+$0x10] =	vst v1  }
0x48: {  	[tilespmem:s17+$0x0] =	vst v1  }
0x49: {  	[tilespmem:s17+$0xFFFFFFF0] =	vst v1  }
0x4a: {  	[tilespmem:s17+$0xFFFFFFE0] =	vst v1  }
0x4b: {  	[tilespmem:s17+$0xFFFFFFD0] =	vst v1  }
0x4c: {  	[tilespmem:s12], [sflag:$0x1] =	stream.linear.gather [hbm4b:s6+s3], $0x80, $0x38;
	[tilespmem:$0x1C380] =	vst v63  }
0x4d: {  	_ =	swait.ge [sflag:s10], $0x80  }
0x4e: {  	[sflag:s10] =	ssyncset.done $0x0  }
0x4f: {  	[sflag:s10] =	ssyncadd.s32 $0xFFFFFF80  }
0x50: {  	v5 =	vld [tilespmem:$0x19800];
	_ =	sdelay $0x4  }
0x51: {  	v5 =	vadd.s32 v2, v5;
	_ =	sdelay $0x3  }
0x52: {  	s17 =	simm.s32 $0x19880  }
0x53: {  	[tilespmem:v5+s17+$0x0] =	vst.idx.add.s32.msk $0xffff, v3  }
0x54: {  	v5 =	vld [tilespmem:$0x19810];
	_ =	sdelay $0x4  }
0x55: {  	v5 =	vadd.s32 v2, v5;
	_ =	sdelay $0x4  }
0x56: {  	[tilespmem:v5+s17+$0x0] =	vst.idx.add.s32.msk $0xffff, v3  }
0x57: {  	v5 =	vld [tilespmem:$0x19820];
	_ =	sdelay $0x4  }
0x58: {  	v5 =	vadd.s32 v2, v5;
	_ =	sdelay $0x4  }
0x59: {  	[tilespmem:v5+s17+$0x0] =	vst.idx.add.s32.msk $0xffff, v3  }
0x5a: {  	v5 =	vld [tilespmem:$0x19830];
	_ =	sdelay $0x4  }
0x5b: {  	v5 =	vadd.s32 v2, v5;
	_ =	sdelay $0x4  }
0x5c: {  	[tilespmem:v5+s17+$0x0] =	vst.idx.add.s32.msk $0xffff, v3  }
0x5d: {  	v5 =	vld [tilespmem:$0x19840];
	_ =	sdelay $0x4  }
0x5e: {  	v5 =	vadd.s32 v2, v5;
	_ =	sdelay $0x4  }
0x5f: {  	[tilespmem:v5+s17+$0x0] =	vst.idx.add.s32.msk $0xffff, v3  }
0x60: {  	v5 =	vld [tilespmem:$0x19850];
	_ =	sdelay $0x4  }
0x61: {  	v5 =	vadd.s32 v2, v5;
	_ =	sdelay $0x4  }
0x62: {  	[tilespmem:v5+s17+$0x0] =	vst.idx.add.s32.msk $0xffff, v3  }
0x63: {  	v5 =	vld [tilespmem:$0x19860];
	_ =	sdelay $0x4  }
0x64: {  	v5 =	vadd.s32 v2, v5;
	_ =	sdelay $0x4  }
0x65: {  	[tilespmem:v5+s17+$0x0] =	vst.idx.add.s32.msk $0xffff, v3  }
0x66: {  	v5 =	vld [tilespmem:$0x19870];
	_ =	sdelay $0x4  }
0x67: {  	v5 =	vadd.s32 v2, v5;
	_ =	sdelay $0x1  }
0x68: {  	s18 =	simm.s32 $0x0  }
0x69: {  	s20 =	simm.s32 $0x280;
	s19 =	sand.u32 $0x70, s18  }
0x6a: {  	s20 =	sand.u32 $0x7F80, s20;
	s19 =	sor.u32 $0x19880, s19  }
0x6b: {  	s21 =	simm.s32 $0x500;
	s20 =	sadd.s32 s20, s19;
	[tilespmem:v5+s17+$0x0] =	vst.idx.add.s32.msk $0xffff, v3  }
0x6c: {  	s31 =	simm.s32 $0x780;
	s30 =	sand.u32 $0xFF80, s21;
	v5 =	vld [tilespmem:s20+$0x0]  }
0x6d: {  	s22 =	simm.s32 $0xA00;
	s21 =	sand.u32 $0xFF80, s31;
	v6 =	vld [tilespmem:s17+$0x0];
	s20 =	sadd.s32 s30, s19  }
0x6e: {  	s24 =	simm.s32 $0xC80;
	s23 =	sand.u32 $0xFF80, s22;
	s21 =	sadd.s32 s21, s19;
	v7 =	vld [tilespmem:s20+$0x0]  }
0x6f: {  	s28 =	simm.s32 $0xF00;
	s26 =	sand.u32 $0x7F80, s24;
	s25 =	sadd.s32 s23, s19;
	v8 =	vld [tilespmem:s21+$0x0]  }
0x70: {  	s31 =	simm.s32 $0x1180;
	s29 =	sadd.s32 s26, s19;
	v9 =	vld [tilespmem:s25+$0x0];
	s30 =	sand.u32 $0xFF80, s28  }
0x71: {  	s24 =	simm.s32 $0x1400;
	s23 =	sand.u32 $0xFF80, s31;
	v10 =	vld [tilespmem:s29+$0x0];
	s21 =	sadd.s32 s30, s19  }
0x72: {  	s26 =	sand.u32 $0xFF80, s24;
	s25 =	sadd.s32 s23, s19;
	s28 =	simm.s32 $0x1680;
	v5 =	vadd.s32 v6, v5;
	v6 =	vld [tilespmem:s21+$0x0]  }
0x73: {  	s31 =	simm.s32 $0x1900;
	s29 =	sadd.s32 s26, s19;
	s30 =	sand.u32 $0x7F80, s28;
	v5 =	vadd.s32 v7, v5;
	v7 =	vld [tilespmem:s25+$0x0]  }
0x74: {  	s24 =	sand.u32 $0xFF80, s31;
	s21 =	sadd.s32 s30, s19;
	s25 =	simm.s32 $0x1B80;
	v5 =	vadd.s32 v8, v5;
	v8 =	vld [tilespmem:s29+$0x0]  }
0x75: {  	s23 =	simm.s32 $0x1E00;
	s26 =	sadd.s32 s24, s19;
	v61 =	vld [tilespmem:s21+$0x0];
	s28 =	sand.u32 $0xFF80, s25;
	v5 =	vadd.s32 v9, v5  }
0x76: {  	v62 =	vld [tilespmem:s26+$0x0];
	s30 =	sand.u32 $0xFF80, s23;
	s29 =	sadd.s32 s28, s19;
	v5 =	vadd.s32 v5, v10  }
0x77: {  	s19 =	sadd.s32 s30, s19;
	v5 =	vadd.s32 v6, v5;
	v6 =	vld [tilespmem:s29+$0x0]  }
0x78: {  	s31 =	sand.u32 $0x3F0, s18;
	v5 =	vadd.s32 v7, v5;
	v7 =	vld [tilespmem:s19+$0x0]  }
0x79: {  	v5 =	vadd.s32 v8, v5;
	v8 =	vld [tilespmem:s31+$0x1B900]  }
0x7a: {  	v5 =	vadd.s32 v5, v61  }
0x7b: {  	v5 =	vadd.s32 v62, v5  }
0x7c: {  	v5 =	vadd.s32 v6, v5  }
0x7d: {  	v63 =	vld [tilespmem:s31+$0x1BB80];
	v5 =	vadd.s32 v7, v5  }
0x7e: {  	v6 =	vadd.s32 v5, v8;
	v5 =	vld [tilespmem:s31+$0x1BE00];
	_ =	sdelay $0x1  }
0x7f: {  	s20 =	simm.s32 $0x10  }
0x80: {  	s18 =	simm.s32 $0x1C080;
	s22 =	sand.u32 $0x70, s20  }
0x81: {  	s23 =	simm.s32 $0x290;
	s21 =	simm.s32 $0x1E20;
	s19 =	simm.s32 $0x1E10;
	v6 =	vadd.s32 v63, v6  }
.LBB2_7:
0x82: {  	p0 =	sne.s32 s21, $0x2070;
	s22 =	sor.u32 $0x19880, s22;
	s23 =	sand.u32 $0x7F80, s23;
	v5 =	vadd.s32 v5, v6  }
0x83: {  	s24 =	sadd.s32 $0xFFFFE700, s19;
	s23 =	sadd.s32 s23, s22;
	[tilespmem:s18+$0x0] =	vst v5  }
0x84: {  	s17 =	sadd.s32 $0x10, s17;
	v5 =	vld [tilespmem:s23+$0x0];
	s23 =	sand.u32 $0xFF80, s24;
	s24 =	sadd.s32 $0xFFFFE980, s19  }
0x85: {  	s25 =	sadd.s32 $0xFFFFEC00, s19;
	v6 =	vld [tilespmem:s17+$0x0];
	s23 =	sadd.s32 s23, s22;
	s24 =	sand.u32 $0xFF80, s24  }
0x86: {  	v7 =	vld [tilespmem:s23+$0x0];
	s23 =	sadd.s32 s24, s22;
	s24 =	sand.u32 $0xFF80, s25;
	s25 =	sadd.s32 $0xFFFFEE80, s19  }
0x87: {  	v8 =	vld [tilespmem:s23+$0x0];
	s23 =	sadd.s32 s24, s22;
	s24 =	sand.u32 $0x7F80, s25;
	s25 =	sadd.s32 $0xFFFFF100, s19  }
0x88: {  	v9 =	vld [tilespmem:s23+$0x0];
	s23 =	sadd.s32 s24, s22;
	s24 =	sand.u32 $0xFF80, s25;
	s25 =	sadd.s32 $0xFFFFF380, s19  }
0x89: {  	v10 =	vld [tilespmem:s23+$0x0];
	s23 =	sadd.s32 s24, s22;
	s24 =	sand.u32 $0xFF80, s25;
	s25 =	sadd.s32 $0xFFFFF600, s19  }
0x8a: {  	v5 =	vadd.s32 v6, v5;
	v6 =	vld [tilespmem:s23+$0x0];
	s23 =	sadd.s32 s24, s22;
	s24 =	sand.u32 $0xFF80, s25;
	s25 =	sadd.s32 $0xFFFFF880, s19  }
0x8b: {  	v5 =	vadd.s32 v7, v5;
	v7 =	vld [tilespmem:s23+$0x0];
	s23 =	sadd.s32 s24, s22;
	s24 =	sand.u32 $0x7F80, s25;
	s25 =	sadd.s32 $0xFFFFFB00, s19  }
0x8c: {  	v5 =	vadd.s32 v8, v5;
	v8 =	vld [tilespmem:s23+$0x0];
	s23 =	sadd.s32 s24, s22;
	s24 =	sand.u32 $0xFF80, s25;
	s25 =	sadd.s32 $0xFFFFFD80, s19  }
0x8d: {  	v5 =	vadd.s32 v9, v5;
	v9 =	vld [tilespmem:s23+$0x0];
	s23 =	sadd.s32 s24, s22;
	s24 =	sand.u32 $0xFF80, s25  }
0x8e: {  	v5 =	vadd.s32 v5, v10;
	v10 =	vld [tilespmem:s23+$0x0];
	s23 =	sadd.s32 s24, s22;
	s24 =	sand.u32 $0xFF80, s19;
	s19 =	smov.u32 s21  }
0x8f: {  	v5 =	vadd.s32 v6, v5;
	v6 =	vld [tilespmem:s23+$0x0];
	s22 =	sadd.s32 s24, s22  }
0x90: {  	s20 =	sand.u32 $0x3F0, s20;
	v5 =	vadd.s32 v7, v5;
	v7 =	vld [tilespmem:s22+$0x0]  }
0x91: {  	v5 =	vadd.s32 v8, v5;
	v8 =	vld [tilespmem:s20+$0x1B900]  }
0x92: {  	v5 =	vadd.s32 v5, v9;
	v9 =	vld [tilespmem:s20+$0x1BB80]  }
.Ltmp3:
0x93: {  	v10 =	vadd.s32 v10, v5;
	v5 =	vld [tilespmem:s20+$0x1BE00];
	(pc) =	sbr.rel @p0 .LBB2_7-.Ltmp3, $4  }
0x94: {  	v6 =	vadd.s32 v6, v10  }
0x95: {  	v6 =	vadd.s32 v7, v6  }
0x96: {  	s18 =	sadd.s32 $0x10, s18;
	s20 =	sadd.s32 $0xFFFFE200, s21;
	v6 =	vadd.s32 v6, v8  }
0x97: {  	s23 =	sadd.s32 $0xFFFFE480, s19;
	s21 =	sadd.s32 $0x10, s21;
	s22 =	sand.u32 $0x70, s20;
	v6 =	vadd.s32 v9, v6  }
0x98: {  	s21 =	sor.u32 $0x19880, s22;
	s30 =	sand.u32 $0x7F80, s23;
	v5 =	vadd.s32 v5, v6  }
0x99: {  	s31 =	sadd.s32 $0xFFFFE700, s19;
	s22 =	sadd.s32 s30, s21;
	[tilespmem:s18+$0x0] =	vst v5  }
0x9a: {  	s24 =	sadd.s32 $0xFFFFE980, s19;
	s17 =	sadd.s32 $0x10, s17;
	s23 =	sand.u32 $0xFF80, s31;
	v5 =	vld [tilespmem:s22+$0x0]  }
0x9b: {  	s28 =	sadd.s32 $0xFFFFEC00, s19;
	s26 =	sand.u32 $0xFF80, s24;
	v6 =	vld [tilespmem:s17+$0x0];
	s25 =	sadd.s32 s23, s21  }
0x9c: {  	s30 =	sand.u32 $0xFF80, s28;
	s31 =	sadd.s32 $0xFFFFEE80, s19;
	s29 =	sadd.s32 s26, s21;
	v7 =	vld [tilespmem:s25+$0x0]  }
0x9d: {  	s24 =	sadd.s32 $0xFFFFF100, s19;
	s22 =	sadd.s32 s30, s21;
	s23 =	sand.u32 $0x7F80, s31;
	v8 =	vld [tilespmem:s29+$0x0]  }
0x9e: {  	s28 =	sadd.s32 $0xFFFFF380, s19;
	s26 =	sand.u32 $0xFF80, s24;
	v9 =	vld [tilespmem:s22+$0x0];
	s25 =	sadd.s32 s23, s21  }
0x9f: {  	s30 =	sand.u32 $0xFF80, s28;
	s31 =	sadd.s32 $0xFFFFF600, s19;
	s29 =	sadd.s32 s26, s21;
	v10 =	vld [tilespmem:s25+$0x0]  }
0xa0: {  	s24 =	sadd.s32 $0xFFFFF880, s19;
	s22 =	sadd.s32 s30, s21;
	s23 =	sand.u32 $0xFF80, s31;
	v5 =	vadd.s32 v6, v5;
	v6 =	vld [tilespmem:s29+$0x0]  }
0xa1: {  	s28 =	sadd.s32 $0xFFFFFB00, s19;
	s26 =	sand.u32 $0x7F80, s24;
	s25 =	sadd.s32 s23, s21;
	v5 =	vadd.s32 v7, v5;
	v7 =	vld [tilespmem:s22+$0x0]  }
0xa2: {  	s30 =	sand.u32 $0xFF80, s28;
	s31 =	sadd.s32 $0xFFFFFD80, s19;
	v58 =	vld [tilespmem:s25+$0x0];
	s29 =	sadd.s32 s26, s21;
	v5 =	vadd.s32 v8, v5  }
0xa3: {  	s24 =	sadd.s32 s30, s21;
	s25 =	sand.u32 $0xFF80, s31;
	v59 =	vld [tilespmem:s29+$0x0];
	v5 =	vadd.s32 v9, v5  }
0xa4: {  	s28 =	sand.u32 $0xFF80, s19;
	v60 =	vld [tilespmem:s24+$0x0];
	s26 =	sadd.s32 s25, s21;
	v5 =	vadd.s32 v5, v10  }
0xa5: {  	s29 =	sadd.s32 s28, s21;
	v5 =	vadd.s32 v6, v5;
	v6 =	vld [tilespmem:s26+$0x0]  }
0xa6: {  	s30 =	sand.u32 $0x3F0, s20;
	v5 =	vadd.s32 v7, v5;
	v7 =	vld [tilespmem:s29+$0x0]  }
0xa7: {  	v61 =	vld [tilespmem:s30+$0x1B900];
	v5 =	vadd.s32 v58, v5  }
0xa8: {  	v62 =	vld [tilespmem:s30+$0x1BB80];
	v5 =	vadd.s32 v5, v59  }
0xa9: {  	v63 =	vld [tilespmem:s30+$0x1BE00];
	v5 =	vadd.s32 v60, v5  }
0xaa: {  	v5 =	vadd.s32 v6, v5  }
0xab: {  	v5 =	vadd.s32 v7, v5  }
0xac: {  	v5 =	vadd.s32 v5, v61  }
0xad: {  	s16 =	sadd.s32 $0x1, s16;
	v5 =	vadd.s32 v62, v5  }
0xae: {  	p0 =	sne.s32 s16, s8;
	s31 =	sadd.s32 $0x10, s18;
	v5 =	vadd.s32 v63, v5  }
.Ltmp4:
0xaf: {  	[tilespmem:s31+$0x0] =	vst v5;
	(pc) =	sbr.rel @p0 .LBB2_1-.Ltmp4, $4  }
0xb0: {  	[hbm4b:s7+s13] =	stream.strided.scatter [tilespmem:s15], [sflag:$0x1], $0x280, s14, s13, $0x38;
	[tilespmem:$0x1C380] =	vst v63  }
0xb1: {  	_ =	swait.ge [sflag:s10], $0x280  }
0xb2: {  	[sflag:s10] =	ssyncset.done $0x0  }
0xb3: {  	[sflag:s10] =	ssyncadd.s32 $0xFFFFFD80  }
0xb4: {  	_ =	sfence.sel $0x180000  }
0xb5: {  	[bflag:$0x0] =	sbarrier.arrive $0xFFFF  }
0xb6: {  	p0 =	sne.s32 s0, $0x0;
	_ =	strace $0x9000004D  }
0xb7: {  	s0 =	sadd.s32 @!p0 $0x100000, s2;
	[bflag:$0x2] =	sbarrier.arrive $0xFFFF  }
0xb8: {  	[sflag:s0] =	ssyncadd.tile.s32 @!p0 $0x1;
	_ =	shalt  }
.Lfunc_end2:
_tile_overlayer_lowered:
.L_overlay_start_2:
0xb9: {  	(tag) =	ssettag $0x2  }
0xba: {  	s0 =	rddreg [dreg:$0x0];
	s2 =	stileid.u32  }
0xbb: {  	s1 =	rddreg [dreg:$0x1];
	p0 =	sne.s32 s2, $0x0  }
0xbc: {  	s3 =	rddreg [dreg:$0x2];
	[bflag:$0x3] =	sbarrier.arrive $0xFFFF;
	s2 =	simm.s32 @!p0 $0x1C01  }
0xbd: {  	[timem:s3], [sflag:s2] =	dma.local @!p0 [hbm:s0], s1  }
0xbe: {  	s0 =	simm.s32 @!p0 $0x1  }
0xbf: {  	_ =	swait.ge @!p0 [sflag:s0], s1  }
0xc0: {  	s1 =	ssub.s32 @!p0 $0x0, s1;
	[sflag:s0] =	ssyncset.done @!p0 $0x0  }
0xc1: {  	[sflag:s0] =	ssyncadd.s32 @!p0 s1  }
0xc2: {  	[bflag:$0x3] =	sbarrier.arrive $0xFFFF  }
0xc3: {  	_ =	shalt  }

// kernel: scatter_offload_async_start
scs
__scs_entry_jumppad:
0x0: {  	(pc) =	sbr.rel $0x88, $3  }
0x1: {  	(tag) =	ssettag $0x0;
	lr =	simm.s32 $0x1  }
0x2: {  	[smem:$0x3F94] =	sst lr;
	_ =	strace $0xD0000000  }
0x3: {  	_ = 	snop  }
0x4: {  	_ = 	snop  }
0x5: {  	_ = 	snop  }
0x6: {  	_ = 	snop  }
0x7: {  	_ = 	snop  }
__scs_overlays_trampoline_lowered:
0x8: {  	[smem:$0x3FA3] =	sst s0  }
0x9: {  	[smem:$0x3FA4] =	sst s1  }
0xa: {  	[smem:$0x3FA5] =	sst s2  }
0xb: {  	[smem:$0x3FA6] =	sst s3  }
0xc: {  	[smem:$0x3FA7] =	sst s4  }
0xd: {  	[smem:$0x3FA8] =	sst s5  }
0xe: {  	[smem:$0x3FA9] =	sst s6  }
0xf: {  	[smem:$0x3FAA] =	sst s7  }
0x10: {  	[smem:$0x3FAB] =	sst s8  }
0x11: {  	[smem:$0x3FAC] =	sst s9;
	s0 =	simm.s32 @!p0 $0x0  }
0x12: {  	s1 =	sld [smem:$0x3F92];
	s0 =	simm.s32 @p0 $0x1  }
0x13: {  	[smem:$0x3FAD] =	sst s0;
	s0 =	simm.s32 @!p1 $0x0  }
0x14: {  	s2 =	sld [smem:$0x3F91];
	s0 =	simm.s32 @p1 $0x1  }
0x15: {  	[smem:$0x3FAE] =	sst s0;
	s0 =	simm.s32 @!p2 $0x0  }
0x16: {  	s3 =	sld [smem:$0x3FDB];
	s0 =	simm.s32 @p2 $0x1  }
0x17: {  	s4 =	simm.s32 $0x1BF5;
	[smem:$0x3FB0] =	sst s0  }
0x18: {  	s0 =	sld [smem:$0x3F93];
	_ =	swait.ge [sflag:s4], $0x0  }
0x19: {  	s7 =	sld [smem:$0x3F94]  }
0x1a: {  	s8 =	sadd.s32 $0xFFFFE003, lr  }
0x1b: {  	s9 =	sadd.s32 $0xFFFFFEF7, lr;
	s5 =	simm.s32 $0xFFFFFFFF;
	p2 =	slt.u32 s8, $0xFFFFF086  }
0x1c: {  	p1 =	slt.u32 s9, $0xF7A;
	s5 =	simm.s32 @!p2 $0x0  }
0x1d: {  	s5 =	simm.s32 @p1 $0x1;
	p0 =	seq.s32 s7, s2  }
0x1e: {  	s7 =	smul.u32 @!p0 $0xF7A, s2;
	p2 =	seq.s32 @!p0 s5, $0x0  }
0x1f: {  	s9 =	smul.u32 $0xF7A, s1;
	s8 =	simm.s32 @!p0 $0x1BF5;
	p2 =	por !p2, p0  }
0x20: {  	[sflag:s8] =	ssyncset.s32 @!p0 $0xFFFFF086;
	s6 =	sadd.s32 @!p0 s3, s7;
	s7 =	simm.s32 @!p0 $0x108  }
0x21: {  	s3 =	sadd.s32 s3, s9;
	s6 =	sadd.s32 @!p0 $0x88, s6;
	s7 =	simm.s32 @p2 $0x1082  }
0x22: {  	[simem:s7], [sflag:s8] =	dma.local @!p0 [hbm:s6], $0xF7A  }
0x23: {  	s9 =	sor.u32 $0xD0000000, s2;
	s6 =	simm.s32 $0x108;
	_ =	swait.ge @!p0 [sflag:s8], $0x0  }
0x24: {  	s3 =	sadd.s32 $0x88, s3;
	s6 =	simm.s32 @!p1 $0x1082;
	[sflag:s4] =	ssyncset.s32 $0xFFFFF086  }
0x25: {  	[simem:s6], [sflag:s4] =	dma.local [hbm:s3], $0xF7A  }
0x26: {  	[smem:$0x3F94] =	sst s1;
	(tag) =	ssettag s2;
	_ =	strace s9  }
0x27: {  	s1 =	sld [smem:$0x3FA4]  }
0x28: {  	s2 =	sld [smem:$0x3FA5]  }
0x29: {  	s4 =	sld [smem:$0x3FA7]  }
0x2a: {  	p0 =	seq.s32 s5, $0x0;
	s5 =	sld [smem:$0x3FA8]  }
0x2b: {  	s6 =	sld [smem:$0x3FA9]  }
0x2c: {  	s7 =	sld [smem:$0x3FAA]  }
0x2d: {  	s3 =	simm.s32 $0x108;
	s8 =	sld [smem:$0x3FAB]  }
0x2e: {  	s3 =	simm.s32 @!p0 $0x1082;
	s9 =	sld [smem:$0x3FAC]  }
0x2f: {  	lr =	sadd.s32 s0, s3;
	s0 =	sld [smem:$0x3FA3]  }
0x30: {  	s3 =	sld [smem:$0x3FA6]  }
0x31: {  	[smem:$0x3FAF] =	sst s10  }
0x32: {  	s10 =	sld [smem:$0x3FAD];
	_ =	sdelay $0x3  }
0x33: {  	p0 =	seq.s32 s10, $0x1;
	s10 =	sld [smem:$0x3FAF];
	_ =	sdelay $0x3  }
0x34: {  	[smem:$0x3FAF] =	sst s10  }
0x35: {  	s10 =	sld [smem:$0x3FAE];
	_ =	sdelay $0x3  }
0x36: {  	p1 =	seq.s32 s10, $0x1;
	s10 =	sld [smem:$0x3FAF];
	_ =	sdelay $0x3  }
0x37: {  	[smem:$0x3FAF] =	sst s10  }
0x38: {  	s10 =	sld [smem:$0x3FB0]  }
0x39: {  	_ = 	snop;
	(pc) =	sbr.ind lr, $3  }
0x3a: {  	_ = 	snop  }
0x3b: {  	_ = 	snop  }
0x3c: {  	p2 =	seq.s32 s10, $0x1;
	s10 =	sld [smem:$0x3FAF]  }
0x3d: {  	_ =	shalt  }
0x3e: {  	_ =	shalt  }
0x3f: {  	_ =	shalt  }
0x40: {  	_ =	shalt  }
0x41: {  	_ =	shalt  }
0x42: {  	_ =	shalt  }
0x43: {  	_ =	shalt  }
0x44: {  	_ =	shalt  }
0x45: {  	_ =	shalt  }
0x46: {  	_ =	shalt  }
0x47: {  	_ =	shalt  }
0x48: {  	_ =	shalt  }
0x49: {  	_ =	shalt  }
0x4a: {  	_ =	shalt  }
0x4b: {  	_ =	shalt  }
0x4c: {  	_ =	shalt  }
0x4d: {  	_ =	shalt  }
0x4e: {  	_ =	shalt  }
0x4f: {  	_ =	shalt  }
0x50: {  	_ =	shalt  }
0x51: {  	_ =	shalt  }
0x52: {  	_ =	shalt  }
0x53: {  	_ =	shalt  }
0x54: {  	_ =	shalt  }
0x55: {  	_ =	shalt  }
0x56: {  	_ =	shalt  }
0x57: {  	_ =	shalt  }
0x58: {  	_ =	shalt  }
0x59: {  	_ =	shalt  }
0x5a: {  	_ =	shalt  }
0x5b: {  	_ =	shalt  }
0x5c: {  	_ =	shalt  }
0x5d: {  	_ =	shalt  }
0x5e: {  	_ =	shalt  }
0x5f: {  	_ =	shalt  }
0x60: {  	_ =	shalt  }
0x61: {  	_ =	shalt  }
0x62: {  	_ =	shalt  }
0x63: {  	_ =	shalt  }
0x64: {  	_ =	shalt  }
0x65: {  	_ =	shalt  }
0x66: {  	_ =	shalt  }
0x67: {  	_ =	shalt  }
0x68: {  	_ =	shalt  }
0x69: {  	_ =	shalt  }
0x6a: {  	_ =	shalt  }
0x6b: {  	_ =	shalt  }
0x6c: {  	_ =	shalt  }
0x6d: {  	_ =	shalt  }
0x6e: {  	_ =	shalt  }
0x6f: {  	_ =	shalt  }
0x70: {  	_ =	shalt  }
0x71: {  	_ =	shalt  }
0x72: {  	_ =	shalt  }
0x73: {  	_ =	shalt  }
0x74: {  	_ =	shalt  }
0x75: {  	_ =	shalt  }
0x76: {  	_ =	shalt  }
0x77: {  	_ =	shalt  }
0x78: {  	_ =	shalt  }
0x79: {  	_ =	shalt  }
0x7a: {  	_ =	shalt  }
0x7b: {  	_ =	shalt  }
0x7c: {  	_ =	shalt  }
0x7d: {  	_ =	shalt  }
0x7e: {  	_ =	shalt  }
0x7f: {  	_ =	shalt  }
0x80: {  	_ =	shalt  }
0x81: {  	_ =	shalt  }
0x82: {  	_ =	shalt  }
0x83: {  	_ =	shalt  }
0x84: {  	_ =	shalt  }
0x85: {  	_ =	shalt  }
0x86: {  	_ =	shalt  }
0x87: {  	_ =	shalt  }
.Lfunc_end0:
.L_simem_size_0:
called_computation_lowered:
.L_overlay_start_0:
0x88: {  	s2 =	sld [smem:$0x3FD9]  }
0x89: {  	s3 =	sld [smem:$0x3FFE];
	_ =	sdelay $0x1  }
0x8a: {  	s1 =	srdreg.scid  }
0x8b: {  	s0 =	sand.u32 $0x1, s1  }
0x8c: {  	s16 =	sshll.u32 s0, $0xA;
	s2 =	sadd.s32 s3, s2  }
0x8d: {  	s2 =	sadd.s32 s2, s16  }
0x8e: {  	[smem:$0x3FBB] =	sst s2  }
0x8f: {  	_ = 	snop  }
0x90: {  	(tm) =	ssettm $0x1  }
0x91: {  	s17 =	sld [smem:$0x3FFB];
	_ =	sdelay $0x3  }
0x92: {  	_ =	strace s17  }
0x93: {  	s2 =	sld [smem:$0x3FFC];
	_ =	sdelay $0x3  }
0x94: {  	_ =	strace s2  }
0x95: {  	s2 =	sld [smem:$0x3FFD];
	_ =	sdelay $0x3  }
0x96: {  	_ =	strace s2  }
0x97: {  	_ =	strace $0x8FFFFFFF  }
0x98: {  	s18 =	sld [smem:$0x3FDB];
	_ =	sdelay $0x1  }
0x99: {  	s19 =	simm.s32 $_scs_section_size  }
0x9a: {  	s4 =	simm.s32 $_size__tile_overlayer_lowered;
	s5 =	simm.s32 $_tile_overlayer_lowered  }
0x9b: {  	s22 =	simm.s32 $0x1BFF;
	s21 =	sshll.u32 s5, $0x1;
	s2 =	sadd.s32 s19, s18  }
0x9c: {  	s6 =	simm.s32 $0x0;
	s20 =	sshll.u32 s4, $0x1;
	s4 =	sadd.s32 s21, s2  }
0x9d: {  	[timem:s6], [sflag:s22] =	dma.local [hbm:s4], s20  }
0x9e: {  	_ =	swait.ge [sflag:s22], s20  }
0x9f: {  	s3 =	ssub.s32 $0x0, s20;
	[sflag:s22] =	ssyncset.done $0x0  }
0xa0: {  	[sflag:s22] =	ssyncadd.s32 s3;
	_ =	sdelay $0x1  }
0xa1: {  	s23 =	simm.s32 $0x1B8B  }
0xa2: {  	_ =	swait.ge [sflag:s23], $0x1  }
0xa3: {  	[sflag:s23] =	ssyncset.done $0x0  }
0xa4: {  	s25 =	simm.s32 $0x1B8E;
	s24 =	sld [smem:$0x3FFE];
	[sflag:s23] =	ssyncadd.s32 $0xFFFFFFFF  }
0xa5: {  	s26 =	simm.s32 $execute0_lowered;
	[smem:$0x3FD2] =	sst s25  }
0xa6: {  	s4 =	sshll.u32 s26, $0x1;
	_ =	strace $0x80000046;
	[dreg:$0x1] =	wrdreg $0xFFFFFFFF  }
0xa7: {  	s28 =	simm.s32 $_size_execute0_lowered;
	s2 =	sadd.s32 s2, s4;
	[dreg:$0x0] =	wrdreg $0x0  }
0xa8: {  	s4 =	sshll.u32 s28, $0x1;
	[dreg:$0x2] =	wrdreg s2  }
0xa9: {  	[dreg:$0x3] =	wrdreg s4  }
0xaa: {  	[dreg:$0x4] =	wrdreg $0xC0  }
0xab: {  	_ =	task [dreg:s6], $0x5FFFF  }
0xac: {  	[dreg:$0x1] =	wrdreg $0xFFFFFFFF  }
0xad: {  	[dreg:$0x0] =	wrdreg $0x60  }
0xae: {  	[dreg:$0x2] =	wrdreg s24  }
0xaf: {  	[dreg:$0x3] =	wrdreg s1  }
0xb0: {  	[dreg:$0x4] =	wrdreg $0x9  }
0xb1: {  	_ =	task.clear_ibuf [dreg:s6], $0x5FFFF;
	_ =	strace $0x90000046  }
0xb2: {  	s29 =	simm.s32 $0x9;
	_ =	strace $0x80000048  }
0xb3: {  	_ =	swait.ge [sflag:s29], $0x1  }
0xb4: {  	[sflag:s29] =	ssyncadd.s32 $0xFFFFFFFF  }
0xb5: {  	_ =	strace $0x90000048  }
0xb6: {  	_ =	sfence  }
0xb7: {  	s30 =	sld [smem:$0x0];
	_ =	sdelay $0x2  }
0xb8: {  	s31 =	sshll.u32 s1, $0xD;
	s1 =	sshrl.u32 s1, $0x2  }
0xb9: {  	s3 =	sand.u32 $0x4000, s31;
	s1 =	sadd.s32 s1, s30  }
0xba: {  	s0 =	sor.u32 s3, s0;
	s1 =	sshll.u32 s1, $0x11  }
0xbb: {  	s0 =	sor.u32 s1, s0  }
0xbc: {  	s0 =	sadd.s32 $0x8F2B, s0  }
0xbd: {  	[sflag:s0] =	ssyncadd.remote.s32 $0x1  }
0xbe: {  	_ =	sfence.sel $0xFFFF  }
0xbf: {  	[dreg:$0x0] =	wrdreg $0xFFFFFFFF;
	(pc) =	sbr.abs _section_cstart, $3  }
0xc0: {  	[dreg:$0x1] =	wrdreg $0xFFFFFFFF  }
0xc1: {  	_ =	task.clear_ibuf [dreg:s6], $0x2FFFF;
	_ =	strace $0x9FFFFFFF  }
0xc2: {  	(tm) =	ssettm $0x7FFFFFFF  }
0xc3: {  	_ =	shalt  }
tec
execute0_lowered:
.L_overlay_start_1:
0x0: {  	(tag) =	ssettag $0x1  }
0x1: {  	s5 =	rddreg [dreg:$0x0]  }
0x2: {  	s1 =	rddreg [dreg:$0x1]  }
0x3: {  	s0 =	rddreg [dreg:$0x2]  }
0x4: {  	_ =	strace $0x80000047;
	s3 =	stileid.u32;
	s1 =	sshll.u32 s1, $0x14  }
0x5: {  	s2 =	simm.s32 $0x3E;
	p0 =	sne.s32 s3, $0x0;
	s8 =	sand.u32 $0x100000, s1  }
0x6: {  	[sflag:s2] =	ssyncpa.u1 $0x0;
	s1 =	sadd.s32 $0x69000, s5;
	s4 =	sshrl.u32 @!p0 s8, $0x3  }
0x7: {  	s6 =	simm.s32 @!p0 $0x0;
	s1 =	sadd.s32 @!p0 s4, s1;
	s4 =	simm.s32 @!p0 $0x1C3E  }
0x8: {  	[spmem:s6], [sflag:s4] =	dma.local @!p0 [hbm:s1], $0x20000  }
0x9: {  	s4 =	simm.s32 @!p0 $0x3E  }
0xa: {  	_ =	swait.ge @!p0 [sflag:s4], $0x20000  }
0xb: {  	s7 =	simm.s32 $0x2;
	s3 =	smul.u32 $0x30D40, s3;
	[sflag:s4] =	ssyncset.done @!p0 $0x0  }
.Ltmp0:
0xc: {  	s9 =	sadd.s32 $0x100000, s8;
	[sflag:s4] =	ssyncadd.s32 @!p0 $0xFFFE0000;
	(pc) =	sbr.rel .LBB2_1-.Ltmp0, $4  }
0xd: {  	v0 =	vmov s8;
	s8 =	simm.s32 $0x0;
	s10 =	smov.u32 s3;
	[bflag:$0x0] =	sbarrier.arrive $0xFFFF  }
0xe: {  	v1 =	vmov s9;
	s9 =	simm.s32 $0x0;
	[sflag:s2] =	ssyncpa.u1 $0x1;
	s2 =	simm.s32 $0x1  }
0xf: {  	s6 =	sadd.s32 $0x30D40, s3;
	s4 =	sadd.s32 $0x7400, s5;
	[sflag:s2] =	ssyncpa.u1 $0x0  }
0x10: {  	vm0 =	vmmov $0xffff;
	s5 =	sadd.s32 $0xCAC00, s5;
	(ifvalue) =	ssetifvalue $0x100000;
	[sflag:s7] =	ssyncpa.u1 $0x0  }
.LBB2_5:
0x11: {  	s9 =	sadd.s32 $0x1, s9  }
0x12: {  	p2 =	sne.s32 s9, $0x1A  }
.Ltmp1:
0x13: {  	_ = 	snop;
	(pc) =	sbr.rel @!p2 .LBB2_6-.Ltmp1, $4  }
0x14: {  	_ = 	snop  }
0x15: {  	s11 =	sadd.s32 $0x1F40, s10  }
0x16: {  	s10 =	smov.u32 s3;
	p1 =	slt.s32 s11, s6  }
0x17: {  	s10 =	smov.u32 @p1 s11  }
.LBB2_1:
0x18: {  	p1 =	seq.s32 s9, $0x19  }
0x19: {  	s11 =	sxor.u32 @!p1 $0xFFFFFFFF, s9  }
0x1a: {  	s11 =	sand.u32 @!p1 $0x1, s11  }
0x1b: {  	s11 =	smul.u32 @!p1 $0x1F40, s11  }
0x1c: {  	s12 =	sshrl.u32 @!p1 s10, $0x3  }
0x1d: {  	s15 =	sand.u32 @!p1 $0x7, s10;
	s13 =	sadd.s32 @!p1 s4, s12;
	s14 =	sor.u32 @!p1 $0x10000, s11  }
0x1e: {  	[tilespmem:s14], [sflag:$0x2] =	stream.linear.gather @!p1 [hbm4b:s13+s15], $0x1F40, $0x38;
	[tilespmem:$0x17D00] =	vst v63  }
0x1f: {  	p2 =	seq.s32 @!p1 s9, $0x0;
	s12 =	sadd.s32 @!p1 s5, s12;
	s11 =	sadd.s32 @!p1 $0x13E80, s11  }
0x20: {  	[tilespmem:s11], [sflag:$0x2] =	stream.linear.gather @!p1 [hbm4b:s12+s15], $0x1F40, $0x38;
	[tilespmem:$0x17D00] =	vst v63  }
0x21: {  	p1 =	por p1, !p2  }
.Ltmp2:
0x22: {  	_ = 	snop;
	(pc) =	sbr.rel @!p1 .LBB2_5-.Ltmp2, $1  }
0x23: {  	_ =	sdelay $0x3  }
0x24: {  	s11 =	sand.u32 $0x1, s9  }
0x25: {  	_ =	swait.ge [sflag:s7], $0x3E80;
	p1 =	seq.s32 s11, $0x1;
	s11 =	simm.s32 $0x1F40  }
0x26: {  	[sflag:s7] =	ssyncset.done $0x0;
	s11 =	simm.s32 @!p1 $0x0  }
0x27: {  	[sflag:s7] =	ssyncadd.s32 $0xFFFFC180;
	s13 =	sor.u32 $0x10000, s11  }
0x28: {  	v2 =	vld.msk [tilespmem:s13+$0x0 ss:$0x1], $0xffff;
	_ =	sdelay $0x4  }
0x29: {  	vm1 =	vge.s32 v2, v0;
	vm2 =	vlt.s32 v2, v1  }
0x2a: {  	v2 =	vsub.s32 v2, v0;
	vm1 =	vmand vm1, vm2  }
0x2b: {  	v2 =	vnsel vm1, $0x100000, v2;
	_ =	sdelay $0x3  }
0x2c: {  	s12 =	simm.s32 $0x0;
	s11 =	sadd.s32 $0x13E80, s11;
	s13 =	sadd.s32 $0x10, s13  }
0x2d: {  	[spmem:s8] =	stream.indirect_vreg.scatter.add.s32 [tilespmem:s11], [sflag:$0x1], $0x1, v2, vm0, $0x4038;
	[tilespmem:$0x17D00] =	vst v63  }
.LBB2_3:
0x2e: {  	v2 =	vld.msk [tilespmem:s13+$0x0 ss:$0x1], $0xffff;
	s12 =	sadd.s32 $0x10, s12  }
0x2f: {  	p1 =	slt.u32 s12, $0x1F30;
	_ =	sdelay $0x4  }
0x30: {  	vm1 =	vge.s32 v2, v0;
	vm2 =	vlt.s32 v2, v1  }
0x31: {  	v2 =	vsub.s32 v2, v0;
	vm1 =	vmand vm1, vm2  }
0x32: {  	v2 =	vnsel vm1, $0x100000, v2  }
.Ltmp3:
0x33: {  	(pc) =	sbr.rel @p1 .LBB2_3-.Ltmp3, $3  }
0x34: {  	_ =	sdelay $0x1  }
0x35: {  	s13 =	sadd.s32 $0x10, s13;
	s11 =	sadd.s32 $0x10, s11  }
0x36: {  	[spmem:s8] =	stream.indirect_vreg.scatter.add.s32 [tilespmem:s11], [sflag:$0x1], $0x1, v2, vm0, $0x4038;
	[tilespmem:$0x17D00] =	vst v63  }
.Ltmp4:
0x37: {  	(pc) =	sbr.rel .LBB2_5-.Ltmp4, $4  }
0x38: {  	_ = 	snop  }
0x39: {  	_ =	swait.ge [sflag:s2], $0x1F40  }
0x3a: {  	[sflag:s2] =	ssyncset.done $0x0  }
0x3b: {  	[sflag:s2] =	ssyncadd.s32 $0xFFFFE0C0  }
.LBB2_6:
0x3c: {  	_ =	sfence.sel $0x180000  }
0x3d: {  	s2 =	simm.s32 $0x2;
	[bflag:$0x0] =	sbarrier.arrive $0xFFFF  }
0x3e: {  	s30 =	simm.s32 $0x1;
	[sflag:s2] =	ssyncpa.u1 $0x1  }
0x3f: {  	[sflag:s30] =	ssyncpa.u1 $0x1  }
0x40: {  	_ =	sfence.stream.spmem  }
0x41: {  	s31 =	simm.s32 $0x3D;
	[bflag:$0x0] =	sbarrier.arrive $0xFFFF  }
0x42: {  	s2 =	simm.s32 @p0 $0x3D;
	[sflag:s31] =	ssyncpa.u1 $0x0  }
0x43: {  	[sflag:s2] =	ssyncpa.u1 @p0 $0x1  }
0x44: {  	[bflag:$0x0] =	sbarrier.arrive @p0 $0xFFFF  }
0x45: {  	_ =	strace @p0 $0x90000047  }
0x46: {  	s3 =	simm.s32 @!p0 $0x1C3D;
	s2 =	simm.s32 @!p0 $0x0;
	[bflag:$0x2] =	sbarrier.arrive @p0 $0xFFFF  }
0x47: {  	[hbm:s1], [sflag:s3] =	dma.local @!p0 [spmem:s2], $0x20000  }
0x48: {  	s1 =	simm.s32 @!p0 $0x3D  }
0x49: {  	_ =	swait.ge @!p0 [sflag:s1], $0x20000  }
0x4a: {  	[sflag:s1] =	ssyncset.done @!p0 $0x0  }
0x4b: {  	[sflag:s1] =	ssyncadd.s32 @!p0 $0xFFFE0000  }
0x4c: {  	[sflag:s1] =	ssyncpa.u1 @!p0 $0x1  }
0x4d: {  	[bflag:$0x0] =	sbarrier.arrive @!p0 $0xFFFF  }
0x4e: {  	_ =	strace @!p0 $0x90000047  }
0x4f: {  	s0 =	sadd.s32 @!p0 $0x100000, s0;
	[bflag:$0x2] =	sbarrier.arrive @!p0 $0xFFFF  }
0x50: {  	[sflag:s0] =	ssyncadd.tile.s32 @!p0 $0x1;
	_ =	shalt  }
.Lfunc_end2:
_tile_overlayer_lowered:
.L_overlay_start_2:
0x51: {  	(tag) =	ssettag $0x2  }
0x52: {  	s0 =	rddreg [dreg:$0x0];
	s2 =	stileid.u32  }
0x53: {  	s1 =	rddreg [dreg:$0x1];
	p0 =	sne.s32 s2, $0x0  }
0x54: {  	s3 =	rddreg [dreg:$0x2];
	[bflag:$0x3] =	sbarrier.arrive $0xFFFF;
	s2 =	simm.s32 @!p0 $0x1C01  }
0x55: {  	[timem:s3], [sflag:s2] =	dma.local @!p0 [hbm:s0], s1  }
0x56: {  	s0 =	simm.s32 @!p0 $0x1  }
0x57: {  	_ =	swait.ge @!p0 [sflag:s0], s1  }
0x58: {  	s1 =	ssub.s32 @!p0 $0x0, s1;
	[sflag:s0] =	ssyncset.done @!p0 $0x0  }
0x59: {  	[sflag:s0] =	ssyncadd.s32 @!p0 s1  }
0x5a: {  	[bflag:$0x3] =	sbarrier.arrive $0xFFFF  }
0x5b: {  	_ =	shalt  }

</sc_bundles>
